<compile_context>
chip_gen: v7x
topology: tpu7x:2x2x1
jax: 0.10.2.dev20260603
libtpu: 0.0.44.dev20260713+nightly
codegen_flags: <defaults>
</compile_context>

<pallas_src>
import functools

import jax
import jax.numpy as jnp
from jax import lax
from jax.experimental import pallas as pl
from jax.experimental.pallas import tpu as pltpu
from jax.experimental.pallas import tpu_sc as plsc

N = 10000
E = 320000
D = 128

NC = 2
NS = 16
NW = NC * NS

K = 128
NCHUNK = E // K
CPT = -(-NCHUNK // NW)
NP = 10240
RPS = NP // NS

_mesh = plsc.VectorSubcoreMesh(core_axis_name="c", subcore_axis_name="s")



@functools.partial(
    pl.kernel,
    out_type=jax.ShapeDtypeStruct((NC, NP, D), jnp.float32),
    mesh=_mesh,
    scratch_types=[
        pltpu.VMEM((K,), jnp.int32),
        pltpu.VMEM((K,), jnp.int32),
        pltpu.VMEM((K, D), jnp.float32),
        pltpu.VMEM_SHARED((NP, D), jnp.float32),
    ],
)
def _sc_scatter(ei_hbm, y_hbm, zeros_hbm, out_hbm, idx_src, idx_dst, rows, acc):
    c = lax.axis_index("c")
    s = lax.axis_index("s")
    wid = s * NC + c
    pltpu.sync_copy(zeros_hbm.at[pl.ds(s * RPS, RPS)], acc.at[pl.ds(s * RPS, RPS)])
    plsc.subcore_barrier()

    def chunk_body(g, _):
        chunk = wid + g * NW

        @pl.when(chunk < NCHUNK)
        def _():
            base = chunk * K
            pltpu.sync_copy(ei_hbm.at[0, pl.ds(base, K)], idx_src)
            pltpu.sync_copy(ei_hbm.at[1, pl.ds(base, K)], idx_dst)
            pltpu.sync_copy(y_hbm.at[idx_src], rows)
            pltpu.sync_copy(rows, acc.at[idx_dst], add=True)

        return ()

    lax.fori_loop(0, CPT, chunk_body, ())
    plsc.subcore_barrier()
    pltpu.sync_copy(acc.at[pl.ds(s * RPS, RPS)], out_hbm.at[c, pl.ds(s * RPS, RPS)])



_R = 2000


def _norm_block(degp_ref):
    deg = (degp_ref[0, :, 0].astype(jnp.float32)
           + degp_ref[1, :, 0].astype(jnp.float32))
    return lax.rsqrt(jnp.maximum(deg, 1.0))[:, None]


def _agg_block(aggp_ref):
    return aggp_ref[0].astype(jnp.float32) + aggp_ref[1].astype(jnp.float32)


def _degp_spec():
    return pl.BlockSpec((NC, _R, D), lambda i: (0, i, 0))


def _row_spec():
    return pl.BlockSpec((_R, D), lambda i: (i, 0))


def _aggp_spec():
    return pl.BlockSpec((NC, _R, D), lambda i: (0, i, 0))


def _full_spec(r, c):
    return pl.BlockSpec((r, c), lambda i: (0, 0))


def _tc1(degp, xa, W1):
    def body(degp_ref, xa_ref, w_ref, y_ref):
        norm = _norm_block(degp_ref)
        xw = jnp.dot(xa_ref[...], w_ref[...], preferred_element_type=jnp.float32)
        y_ref[...] = xw * norm

    return pl.pallas_call(
        body,
        grid=(N // _R,),
        in_specs=[_degp_spec(), _row_spec(), _full_spec(D, D)],
        out_specs=_row_spec(),
        out_shape=jax.ShapeDtypeStruct((N, D), jnp.float32),
    )(degp, xa, W1)


def _tc2(degp, agg1p, b1, Wm, Ws):
    def body(degp_ref, aggp_ref, b_ref, wm_ref, ws_ref, ym_ref, ys_ref):
        norm = _norm_block(degp_ref)
        h = jnp.maximum(_agg_block(aggp_ref) * norm + b_ref[...], 0.0)
        ym = jnp.dot(h, wm_ref[...], preferred_element_type=jnp.float32) * norm
        ys = jnp.dot(h, ws_ref[...], preferred_element_type=jnp.float32) * norm
        ym_ref[...] = ym
        ys_ref[...] = ys

    return pl.pallas_call(
        body,
        grid=(N // _R,),
        in_specs=[_degp_spec(), _aggp_spec(), _full_spec(1, D),
                  _full_spec(D, D), _full_spec(D, D)],
        out_specs=[_row_spec(), _row_spec()],
        out_shape=[jax.ShapeDtypeStruct((N, D), jnp.float32),
                   jax.ShapeDtypeStruct((N, D), jnp.float32)],
    )(degp, agg1p, b1, Wm, Ws)


def _tc3(degp, aggmp, aggsp, bm, bs, noise, Wd):
    def body(degp_ref, aggmp_ref, aggsp_ref, bm_ref, bs_ref, noise_ref, wd_ref,
             yd_ref):
        norm = _norm_block(degp_ref)
        mean = _agg_block(aggmp_ref) * norm + bm_ref[...]
        logstd = _agg_block(aggsp_ref) * norm + bs_ref[...]
        z = noise_ref[...] * jnp.exp(logstd) + mean
        yd = jnp.dot(z, wd_ref[...], preferred_element_type=jnp.float32) * norm
        yd_ref[...] = yd

    return pl.pallas_call(
        body,
        grid=(N // _R,),
        in_specs=[_degp_spec(), _aggp_spec(), _aggp_spec(), _full_spec(1, D),
                  _full_spec(1, D), _row_spec(), _full_spec(D, D)],
        out_specs=_row_spec(),
        out_shape=jax.ShapeDtypeStruct((N, D), jnp.float32),
    )(degp, aggmp, aggsp, bm, bs, noise, Wd)


def _tc4(degp, aggdp, bd, Wl, bl):
    def body(degp_ref, aggp_ref, bd_ref, wl_ref, bl_ref, out_ref):
        norm = _norm_block(degp_ref)
        hd = jnp.maximum(_agg_block(aggp_ref) * norm + bd_ref[...], 0.0)
        out_ref[...] = (jnp.dot(hd, wl_ref[...], preferred_element_type=jnp.float32)
                        + bl_ref[...])

    return pl.pallas_call(
        body,
        grid=(N // _R,),
        in_specs=[_degp_spec(), _aggp_spec(), _full_spec(1, D),
                  _full_spec(D, D), _full_spec(1, D)],
        out_specs=_row_spec(),
        out_shape=jax.ShapeDtypeStruct((N, D), jnp.float32),
    )(degp, aggdp, bd, Wl, bl)



def kernel(xa, xb, edge_index, noise, W1, b1, Wm, bm, Ws, bs, Wd, bd, Wl, bl):
    del xb
    zeros128 = jnp.zeros((NP, D), jnp.float32)
    ones128 = jnp.ones((N, D), jnp.float32)

    degp = _sc_scatter(edge_index, ones128, zeros128)
    y1 = _tc1(degp, xa, W1)
    agg1p = _sc_scatter(edge_index, y1, zeros128)
    ym, ys = _tc2(degp, agg1p, b1.reshape(1, D), Wm, Ws)
    aggmp = _sc_scatter(edge_index, ym, zeros128)
    aggsp = _sc_scatter(edge_index, ys, zeros128)
    yd = _tc3(degp, aggmp, aggsp, bm.reshape(1, D), bs.reshape(1, D), noise, Wd)
    aggdp = _sc_scatter(edge_index, yd, zeros128)
    return _tc4(degp, aggdp, bd.reshape(1, D), Wl, bl.reshape(1, D))

# --- scband reference (transcript-rebuilt; emitter-appended) ---
"""Pipeline reference for scband-generator-10797547782617 (READ-ONLY COPY).

The authoritative reference and input builder live on the scoring server;
editing this copy changes nothing except your own understanding.
"""

import jax, jax.numpy as jnp
import numpy as np

N = 10000
E = 320000
D = 128


def _gcn_layer(x, W, b, src, dst):
    # DGL-style GraphConv with symmetric normalization: D^{-1/2} A D^{-1/2} X W + b
    deg = jax.ops.segment_sum(jnp.ones((src.shape[0],), jnp.float32), dst, num_segments=N)
    deg = jnp.maximum(deg, 1.0)
    norm = jax.lax.rsqrt(deg)
    xw = x @ W
    msg = xw[src] * norm[src][:, None]
    agg = jax.ops.segment_sum(msg, dst, num_segments=N)
    return agg * norm[:, None] + b


def setup_inputs(seed: int = 0) -> dict:
    key = jax.random.key(seed)
    ks = jax.random.split(key, 16)
    s = 0.05
    inp = {
        "xa": jax.random.normal(ks[0], (N, D), dtype=jnp.float32),
        "xb": jax.random.normal(ks[1], (N, D), dtype=jnp.float32),
        "edge_index": jax.random.randint(ks[2], (2, E), 0, N, dtype=jnp.int32),
        "noise": jax.random.normal(ks[3], (N, D), dtype=jnp.float32),
        "W1": jax.random.normal(ks[4], (D, D), dtype=jnp.float32) * s,
        "b1": jnp.zeros((D,), jnp.float32),
        "Wm": jax.random.normal(ks[5], (D, D), dtype=jnp.float32) * s,
        "bm": jnp.zeros((D,), jnp.float32),
        "Ws": jax.random.normal(ks[6], (D, D), dtype=jnp.float32) * s,
        "bs": jnp.zeros((D,), jnp.float32),
        "Wd": jax.random.normal(ks[7], (D, D), dtype=jnp.float32) * s,
        "bd": jnp.zeros((D,), jnp.float32),
        "Wl": jax.random.normal(ks[8], (D, D), dtype=jnp.float32) * s,
        "bl": jnp.zeros((D,), jnp.float32),
    }
    return inp


def reference(xa, xb, edge_index, noise, W1, b1, Wm, bm, Ws, bs, Wd, bd, Wl, bl):
    src = edge_index[0]
    dst = edge_index[1]
    # Encoder: GraphConv -> (gcn_mean, gcn_logstddev)
    h = jax.nn.relu(_gcn_layer(xa, W1, b1, src, dst))
    mean = _gcn_layer(h, Wm, bm, src, dst)
    logstd = _gcn_layer(h, Ws, bs, src, dst)
    # Reparameterization: z = eps * exp(logstd) + mean
    z = noise * jnp.exp(logstd) + mean
    # Decoder: GraphConv -> Linear
    hd = jax.nn.relu(_gcn_layer(z, Wd, bd, src, dst))
    out = hd @ Wl + bl
    return out

if __name__ == "__main__":
    import jax
    _d = setup_inputs()
    print(jax.jit(kernel)(*tuple(_d.values())))

</pallas_src>

<mosaic_0001>
#map = affine_map<(d0, d1) -> (0, 0)>
#map1 = affine_map<(d0, d1) -> (0, 0, 0)>
module attributes {stable_mosaic.version = 14 : i64} {
  func.func @_sc_scatter(%arg0: i32, %arg1: i32, %arg2: memref<2x320000xi32, #tpu.memory_space<hbm>>, %arg3: memref<10000x128xf32, #tpu.memory_space<hbm>>, %arg4: memref<10240x128xf32, #tpu.memory_space<hbm>>, %arg5: memref<2x10240x128xf32, #tpu.memory_space<hbm>>, %arg6: memref<128xi32, #tpu.memory_space<vmem>>, %arg7: memref<128xi32, #tpu.memory_space<vmem>>, %arg8: memref<128x128xf32, #tpu.memory_space<vmem>>, %arg9: memref<10240x128xf32, #tpu.memory_space<vmem_shared>>) attributes {dimension_semantics = [#tpu.dimension_semantics<core_parallel>, #tpu.dimension_semantics<subcore_parallel>], iteration_bounds = array<i64: 2, 16>, scalar_prefetch = 0 : i64, scratch_operands = 4 : i64, tpu.core_type = #tpu.core_type<sc_vector_subcore>, window_params = [{transform_indices = #map}, {transform_indices = #map}, {transform_indices = #map}, {transform_indices = #map1}]} {
    %mul3A = arith.constant 2 : i32
    %mul3A_0 = arith.muli %arg1, %mul3A : i32
    %add3A = arith.addi %mul3A_0, %arg0 : i32
    %mul3A_1 = arith.constant 640 : i32
    %mul3A_2 = arith.muli %arg1, %mul3A_1 : i32
    %mul3A_3 = arith.constant 640 : i32
    %mul3A_4 = arith.muli %arg1, %mul3A_3 : i32
    "tpu.region"() ({
      %run_scoped3A = tpu.sem_alloc : memref<!tpu.dma_semaphore, #tpu.memory_space<semaphore_mem>>
      %dma_start3A = arith.constant 0 : i32
      %dma_start3A_14 = tpu.memref_slice %arg9[%mul3A_4, %dma_start3A] : memref<10240x128xf32, #tpu.memory_space<vmem_shared>> -> memref<640x128xf32, #tpu.memory_space<vmem_shared>>
      %dma_start3A_15 = arith.constant 0 : i32
      %dma_start3A_16 = tpu.memref_slice %arg4[%mul3A_2, %dma_start3A_15] : memref<10240x128xf32, #tpu.memory_space<hbm>> -> memref<640x128xf32, #tpu.memory_space<hbm>>
      tpu.enqueue_dma source(%dma_start3A_16 : memref<640x128xf32, #tpu.memory_space<hbm>>) target(%dma_start3A_14 : memref<640x128xf32, #tpu.memory_space<vmem_shared>>) target_semaphore(%run_scoped3A : memref<!tpu.dma_semaphore, #tpu.memory_space<semaphore_mem>>)
      %dma_wait3A = arith.constant 0 : i32
      %dma_wait3A_17 = tpu.memref_slice %arg9[%mul3A_4, %dma_wait3A] : memref<10240x128xf32, #tpu.memory_space<vmem_shared>> -> memref<640x128xf32, #tpu.memory_space<vmem_shared>>
      %dma_wait3A_18 = arith.constant 0 : i32
      %dma_wait3A_19 = tpu.memref_slice %arg4[%mul3A_2, %dma_wait3A_18] : memref<10240x128xf32, #tpu.memory_space<hbm>> -> memref<640x128xf32, #tpu.memory_space<hbm>>
      tpu.wait_dma2 semaphore(%run_scoped3A : memref<!tpu.dma_semaphore, #tpu.memory_space<semaphore_mem>>) src(%dma_wait3A_19 : memref<640x128xf32, #tpu.memory_space<hbm>>) dst(%dma_wait3A_17 : memref<640x128xf32, #tpu.memory_space<vmem_shared>>)
      tpu.yield
    }) : () -> ()
    %barrier3A = arith.constant 0 : index
    tpu.barrier barrier_id(%barrier3A)
    %scan3A = arith.constant 0 : i32
    %scan3A_5 = arith.constant 79 : i32
    %scan3A_6 = arith.addi %scan3A, %scan3A_5 : i32
    %scan3A_7 = arith.constant 1 : i32
    scf.for %scan3A_14 = %scan3A to %scan3A_6 step %scan3A_7  : i32 {
      %mul3A_15 = arith.constant 32 : i32
      %mul3A_16 = arith.muli %scan3A_14, %mul3A_15 : i32
      %add3A_17 = arith.addi %add3A, %mul3A_16 : i32
      %lt3A = arith.constant 2500 : i32
      %lt3A_18 = arith.cmpi slt, %add3A_17, %lt3A : i32
      %convert_element_type3A = arith.extui %lt3A_18 : i1 to i32
      %cond3A = arith.constant 0 : i32
      %cond3A_19 = arith.cmpi ne, %convert_element_type3A, %cond3A : i32
      scf.if %cond3A_19 {
        %mul3A_20 = arith.constant 128 : i32
        %mul3A_21 = arith.muli %add3A_17, %mul3A_20 : i32
        %run_scoped3A = arith.constant 0 : i32
        "tpu.region"() ({
          %run_scoped3A_23 = tpu.sem_alloc : memref<!tpu.dma_semaphore, #tpu.memory_space<semaphore_mem>>
          %dma_start3A = tpu.memref_slice %arg2[%run_scoped3A, %mul3A_21] : memref<2x320000xi32, #tpu.memory_space<hbm>> -> memref<1x128xi32, #tpu.memory_space<hbm>>
          %dma_start3A_24 = tpu.memref_squeeze %dma_start3A : memref<1x128xi32, #tpu.memory_space<hbm>> -> memref<128xi32, #tpu.memory_space<hbm>>
          %dma_start3A_25 = tpu.memref_slice %arg2[%run_scoped3A, %mul3A_21] : memref<2x320000xi32, #tpu.memory_space<hbm>> -> memref<1x128xi32, #tpu.memory_space<hbm>>
          %dma_start3A_26 = tpu.memref_squeeze %dma_start3A_25 : memref<1x128xi32, #tpu.memory_space<hbm>> -> memref<128xi32, #tpu.memory_space<hbm>>
          tpu.enqueue_dma source(%dma_start3A_26 : memref<128xi32, #tpu.memory_space<hbm>>) target(%arg6 : memref<128xi32, #tpu.memory_space<vmem>>) target_semaphore(%run_scoped3A_23 : memref<!tpu.dma_semaphore, #tpu.memory_space<semaphore_mem>>)
          %dma_wait3A = tpu.memref_slice %arg2[%run_scoped3A, %mul3A_21] : memref<2x320000xi32, #tpu.memory_space<hbm>> -> memref<1x128xi32, #tpu.memory_space<hbm>>
          %dma_wait3A_27 = tpu.memref_squeeze %dma_wait3A : memref<1x128xi32, #tpu.memory_space<hbm>> -> memref<128xi32, #tpu.memory_space<hbm>>
          %dma_wait3A_28 = tpu.memref_slice %arg2[%run_scoped3A, %mul3A_21] : memref<2x320000xi32, #tpu.memory_space<hbm>> -> memref<1x128xi32, #tpu.memory_space<hbm>>
          %dma_wait3A_29 = tpu.memref_squeeze %dma_wait3A_28 : memref<1x128xi32, #tpu.memory_space<hbm>> -> memref<128xi32, #tpu.memory_space<hbm>>
          tpu.wait_dma2 semaphore(%run_scoped3A_23 : memref<!tpu.dma_semaphore, #tpu.memory_space<semaphore_mem>>) src(%dma_wait3A_29 : memref<128xi32, #tpu.memory_space<hbm>>) dst(%arg6 : memref<128xi32, #tpu.memory_space<vmem>>)
          tpu.yield
        }) : () -> ()
        %run_scoped3A_22 = arith.constant 1 : i32
        "tpu.region"() ({
          %run_scoped3A_23 = tpu.sem_alloc : memref<!tpu.dma_semaphore, #tpu.memory_space<semaphore_mem>>
          %dma_start3A = tpu.memref_slice %arg2[%run_scoped3A_22, %mul3A_21] : memref<2x320000xi32, #tpu.memory_space<hbm>> -> memref<1x128xi32, #tpu.memory_space<hbm>>
          %dma_start3A_24 = tpu.memref_squeeze %dma_start3A : memref<1x128xi32, #tpu.memory_space<hbm>> -> memref<128xi32, #tpu.memory_space<hbm>>
          %dma_start3A_25 = tpu.memref_slice %arg2[%run_scoped3A_22, %mul3A_21] : memref<2x320000xi32, #tpu.memory_space<hbm>> -> memref<1x128xi32, #tpu.memory_space<hbm>>
          %dma_start3A_26 = tpu.memref_squeeze %dma_start3A_25 : memref<1x128xi32, #tpu.memory_space<hbm>> -> memref<128xi32, #tpu.memory_space<hbm>>
          tpu.enqueue_dma source(%dma_start3A_26 : memref<128xi32, #tpu.memory_space<hbm>>) target(%arg7 : memref<128xi32, #tpu.memory_space<vmem>>) target_semaphore(%run_scoped3A_23 : memref<!tpu.dma_semaphore, #tpu.memory_space<semaphore_mem>>)
          %dma_wait3A = tpu.memref_slice %arg2[%run_scoped3A_22, %mul3A_21] : memref<2x320000xi32, #tpu.memory_space<hbm>> -> memref<1x128xi32, #tpu.memory_space<hbm>>
          %dma_wait3A_27 = tpu.memref_squeeze %dma_wait3A : memref<1x128xi32, #tpu.memory_space<hbm>> -> memref<128xi32, #tpu.memory_space<hbm>>
          %dma_wait3A_28 = tpu.memref_slice %arg2[%run_scoped3A_22, %mul3A_21] : memref<2x320000xi32, #tpu.memory_space<hbm>> -> memref<1x128xi32, #tpu.memory_space<hbm>>
          %dma_wait3A_29 = tpu.memref_squeeze %dma_wait3A_28 : memref<1x128xi32, #tpu.memory_space<hbm>> -> memref<128xi32, #tpu.memory_space<hbm>>
          tpu.wait_dma2 semaphore(%run_scoped3A_23 : memref<!tpu.dma_semaphore, #tpu.memory_space<semaphore_mem>>) src(%dma_wait3A_29 : memref<128xi32, #tpu.memory_space<hbm>>) dst(%arg7 : memref<128xi32, #tpu.memory_space<vmem>>)
          tpu.yield
        }) : () -> ()
        "tpu.region"() ({
          %run_scoped3A_23 = tpu.sem_alloc : memref<!tpu.dma_semaphore, #tpu.memory_space<semaphore_mem>>
          %dma_start3A = arith.constant 0 : i32
          %dma_start3A_24 = arith.constant 0 : i32
          %dma_start3A_25 = tpu.memref_slice %arg3[%dma_start3A, %dma_start3A_24] : memref<10000x128xf32, #tpu.memory_space<hbm>> -> memref<10000x128xf32, #tpu.memory_space<hbm>>
          tpu.enqueue_indirect_dma source(%dma_start3A_25 : memref<10000x128xf32, #tpu.memory_space<hbm>>) target(%arg8 : memref<128x128xf32, #tpu.memory_space<vmem>>) offsets(%arg6 : memref<128xi32, #tpu.memory_space<vmem>>) semaphore(%run_scoped3A_23 : memref<!tpu.dma_semaphore, #tpu.memory_space<semaphore_mem>>)
          %dma_wait3A = arith.constant 0 : i32
          %dma_wait3A_26 = arith.constant 0 : i32
          %dma_wait3A_27 = tpu.memref_slice %arg3[%dma_wait3A, %dma_wait3A_26] : memref<10000x128xf32, #tpu.memory_space<hbm>> -> memref<10000x128xf32, #tpu.memory_space<hbm>>
          tpu.wait_indirect_dma semaphore(%run_scoped3A_23 : memref<!tpu.dma_semaphore, #tpu.memory_space<semaphore_mem>>) src(%dma_wait3A_27 : memref<10000x128xf32, #tpu.memory_space<hbm>>) dst(%arg8 : memref<128x128xf32, #tpu.memory_space<vmem>>)
          tpu.yield
        }) : () -> ()
        "tpu.region"() ({
          %run_scoped3A_23 = tpu.sem_alloc : memref<!tpu.dma_semaphore, #tpu.memory_space<semaphore_mem>>
          %dma_start3A = arith.constant 0 : i32
          %dma_start3A_24 = arith.constant 0 : i32
          %dma_start3A_25 = tpu.memref_slice %arg9[%dma_start3A, %dma_start3A_24] : memref<10240x128xf32, #tpu.memory_space<vmem_shared>> -> memref<10240x128xf32, #tpu.memory_space<vmem_shared>>
          tpu.enqueue_indirect_dma source(%arg8 : memref<128x128xf32, #tpu.memory_space<vmem>>) target(%dma_start3A_25 : memref<10240x128xf32, #tpu.memory_space<vmem_shared>>) offsets(%arg7 : memref<128xi32, #tpu.memory_space<vmem>>) semaphore(%run_scoped3A_23 : memref<!tpu.dma_semaphore, #tpu.memory_space<semaphore_mem>>) {add = true}
          %dma_wait3A = arith.constant 0 : i32
          %dma_wait3A_26 = arith.constant 0 : i32
          %dma_wait3A_27 = tpu.memref_slice %arg9[%dma_wait3A, %dma_wait3A_26] : memref<10240x128xf32, #tpu.memory_space<vmem_shared>> -> memref<10240x128xf32, #tpu.memory_space<vmem_shared>>
          tpu.wait_indirect_dma semaphore(%run_scoped3A_23 : memref<!tpu.dma_semaphore, #tpu.memory_space<semaphore_mem>>) src(%arg8 : memref<128x128xf32, #tpu.memory_space<vmem>>) dst(%dma_wait3A_27 : memref<10240x128xf32, #tpu.memory_space<vmem_shared>>)
          tpu.yield
        }) : () -> ()
      } else {
      }
    }
    %scan3A_8 = arith.constant 79 : i32
    %barrier3A_9 = arith.constant 0 : index
    tpu.barrier barrier_id(%barrier3A_9)
    %mul3A_10 = arith.constant 640 : i32
    %mul3A_11 = arith.muli %arg1, %mul3A_10 : i32
    %mul3A_12 = arith.constant 640 : i32
    %mul3A_13 = arith.muli %arg1, %mul3A_12 : i32
    "tpu.region"() ({
      %run_scoped3A = tpu.sem_alloc : memref<!tpu.dma_semaphore, #tpu.memory_space<semaphore_mem>>
      %dma_start3A = arith.constant 0 : i32
      %dma_start3A_14 = tpu.memref_slice %arg5[%arg0, %mul3A_13, %dma_start3A] : memref<2x10240x128xf32, #tpu.memory_space<hbm>> -> memref<1x640x128xf32, #tpu.memory_space<hbm>>
      %dma_start3A_15 = tpu.memref_squeeze %dma_start3A_14 : memref<1x640x128xf32, #tpu.memory_space<hbm>> -> memref<640x128xf32, #tpu.memory_space<hbm>>
      %dma_start3A_16 = arith.constant 0 : i32
      %dma_start3A_17 = tpu.memref_slice %arg9[%mul3A_11, %dma_start3A_16] : memref<10240x128xf32, #tpu.memory_space<vmem_shared>> -> memref<640x128xf32, #tpu.memory_space<vmem_shared>>
      tpu.enqueue_dma source(%dma_start3A_17 : memref<640x128xf32, #tpu.memory_space<vmem_shared>>) target(%dma_start3A_15 : memref<640x128xf32, #tpu.memory_space<hbm>>) target_semaphore(%run_scoped3A : memref<!tpu.dma_semaphore, #tpu.memory_space<semaphore_mem>>)
      %dma_wait3A = arith.constant 0 : i32
      %dma_wait3A_18 = tpu.memref_slice %arg5[%arg0, %mul3A_13, %dma_wait3A] : memref<2x10240x128xf32, #tpu.memory_space<hbm>> -> memref<1x640x128xf32, #tpu.memory_space<hbm>>
      %dma_wait3A_19 = tpu.memref_squeeze %dma_wait3A_18 : memref<1x640x128xf32, #tpu.memory_space<hbm>> -> memref<640x128xf32, #tpu.memory_space<hbm>>
      %dma_wait3A_20 = arith.constant 0 : i32
      %dma_wait3A_21 = tpu.memref_slice %arg9[%mul3A_11, %dma_wait3A_20] : memref<10240x128xf32, #tpu.memory_space<vmem_shared>> -> memref<640x128xf32, #tpu.memory_space<vmem_shared>>
      tpu.wait_dma2 semaphore(%run_scoped3A : memref<!tpu.dma_semaphore, #tpu.memory_space<semaphore_mem>>) src(%dma_wait3A_21 : memref<640x128xf32, #tpu.memory_space<vmem_shared>>) dst(%dma_wait3A_19 : memref<640x128xf32, #tpu.memory_space<hbm>>)
      tpu.yield
    }) : () -> ()
    return
  }
}

#map = affine_map<(d0, d1) -> (0, 0)>
#map1 = affine_map<(d0, d1) -> (0, 0, 0)>
module attributes {stable_mosaic.version = 14 : i64} {
  func.func @_sc_scatter(%arg0: i32, %arg1: i32, %arg2: memref<2x320000xi32, #tpu.memory_space<hbm>>, %arg3: memref<10000x128xf32, #tpu.memory_space<hbm>>, %arg4: memref<10240x128xf32, #tpu.memory_space<hbm>>, %arg5: memref<2x10240x128xf32, #tpu.memory_space<hbm>>, %arg6: memref<128xi32, #tpu.memory_space<vmem>>, %arg7: memref<128xi32, #tpu.memory_space<vmem>>, %arg8: memref<128x128xf32, #tpu.memory_space<vmem>>, %arg9: memref<10240x128xf32, #tpu.memory_space<vmem_shared>>) attributes {dimension_semantics = [#tpu.dimension_semantics<core_parallel>, #tpu.dimension_semantics<subcore_parallel>], iteration_bounds = array<i64: 2, 16>, scalar_prefetch = 0 : i64, scratch_operands = 4 : i64, tpu.core_type = #tpu.core_type<sc_vector_subcore>, window_params = [{transform_indices = #map}, {transform_indices = #map}, {transform_indices = #map}, {transform_indices = #map1}]} {
    %mul3A = arith.constant 2 : i32
    %mul3A_0 = arith.muli %arg1, %mul3A : i32
    %add3A = arith.addi %mul3A_0, %arg0 : i32
    %mul3A_1 = arith.constant 640 : i32
    %mul3A_2 = arith.muli %arg1, %mul3A_1 : i32
    %mul3A_3 = arith.constant 640 : i32
    %mul3A_4 = arith.muli %arg1, %mul3A_3 : i32
    "tpu.region"() ({
      %run_scoped3A = tpu.sem_alloc : memref<!tpu.dma_semaphore, #tpu.memory_space<semaphore_mem>>
      %dma_start3A = arith.constant 0 : i32
      %dma_start3A_14 = tpu.memref_slice %arg9[%mul3A_4, %dma_start3A] : memref<10240x128xf32, #tpu.memory_space<vmem_shared>> -> memref<640x128xf32, #tpu.memory_space<vmem_shared>>
      %dma_start3A_15 = arith.constant 0 : i32
      %dma_start3A_16 = tpu.memref_slice %arg4[%mul3A_2, %dma_start3A_15] : memref<10240x128xf32, #tpu.memory_space<hbm>> -> memref<640x128xf32, #tpu.memory_space<hbm>>
      tpu.enqueue_dma source(%dma_start3A_16 : memref<640x128xf32, #tpu.memory_space<hbm>>) target(%dma_start3A_14 : memref<640x128xf32, #tpu.memory_space<vmem_shared>>) target_semaphore(%run_scoped3A : memref<!tpu.dma_semaphore, #tpu.memory_space<semaphore_mem>>)
      %dma_wait3A = arith.constant 0 : i32
      %dma_wait3A_17 = tpu.memref_slice %arg9[%mul3A_4, %dma_wait3A] : memref<10240x128xf32, #tpu.memory_space<vmem_shared>> -> memref<640x128xf32, #tpu.memory_space<vmem_shared>>
      %dma_wait3A_18 = arith.constant 0 : i32
      %dma_wait3A_19 = tpu.memref_slice %arg4[%mul3A_2, %dma_wait3A_18] : memref<10240x128xf32, #tpu.memory_space<hbm>> -> memref<640x128xf32, #tpu.memory_space<hbm>>
      tpu.wait_dma2 semaphore(%run_scoped3A : memref<!tpu.dma_semaphore, #tpu.memory_space<semaphore_mem>>) src(%dma_wait3A_19 : memref<640x128xf32, #tpu.memory_space<hbm>>) dst(%dma_wait3A_17 : memref<640x128xf32, #tpu.memory_space<vmem_shared>>)
      tpu.yield
    }) : () -> ()
    %barrier3A = arith.constant 0 : index
    tpu.barrier barrier_id(%barrier3A)
    %scan3A = arith.constant 0 : i32
    %scan3A_5 = arith.constant 79 : i32
    %scan3A_6 = arith.addi %scan3A, %scan3A_5 : i32
    %scan3A_7 = arith.constant 1 : i32
    scf.for %scan3A_14 = %scan3A to %scan3A_6 step %scan3A_7  : i32 {
      %mul3A_15 = arith.constant 32 : i32
      %mul3A_16 = arith.muli %scan3A_14, %mul3A_15 : i32
      %add3A_17 = arith.addi %add3A, %mul3A_16 : i32
      %lt3A = arith.constant 2500 : i32
      %lt3A_18 = arith.cmpi slt, %add3A_17, %lt3A : i32
      %convert_element_type3A = arith.extui %lt3A_18 : i1 to i32
      %cond3A = arith.constant 0 : i32
      %cond3A_19 = arith.cmpi ne, %convert_element_type3A, %cond3A : i32
      scf.if %cond3A_19 {
        %mul3A_20 = arith.constant 128 : i32
        %mul3A_21 = arith.muli %add3A_17, %mul3A_20 : i32
        %run_scoped3A = arith.constant 0 : i32
        "tpu.region"() ({
          %run_scoped3A_23 = tpu.sem_alloc : memref<!tpu.dma_semaphore, #tpu.memory_space<semaphore_mem>>
          %dma_start3A = tpu.memref_slice %arg2[%run_scoped3A, %mul3A_21] : memref<2x320000xi32, #tpu.memory_space<hbm>> -> memref<1x128xi32, #tpu.memory_space<hbm>>
          %dma_start3A_24 = tpu.memref_squeeze %dma_start3A : memref<1x128xi32, #tpu.memory_space<hbm>> -> memref<128xi32, #tpu.memory_space<hbm>>
          %dma_start3A_25 = tpu.memref_slice %arg2[%run_scoped3A, %mul3A_21] : memref<2x320000xi32, #tpu.memory_space<hbm>> -> memref<1x128xi32, #tpu.memory_space<hbm>>
          %dma_start3A_26 = tpu.memref_squeeze %dma_start3A_25 : memref<1x128xi32, #tpu.memory_space<hbm>> -> memref<128xi32, #tpu.memory_space<hbm>>
          tpu.enqueue_dma source(%dma_start3A_26 : memref<128xi32, #tpu.memory_space<hbm>>) target(%arg6 : memref<128xi32, #tpu.memory_space<vmem>>) target_semaphore(%run_scoped3A_23 : memref<!tpu.dma_semaphore, #tpu.memory_space<semaphore_mem>>)
          %dma_wait3A = tpu.memref_slice %arg2[%run_scoped3A, %mul3A_21] : memref<2x320000xi32, #tpu.memory_space<hbm>> -> memref<1x128xi32, #tpu.memory_space<hbm>>
          %dma_wait3A_27 = tpu.memref_squeeze %dma_wait3A : memref<1x128xi32, #tpu.memory_space<hbm>> -> memref<128xi32, #tpu.memory_space<hbm>>
          %dma_wait3A_28 = tpu.memref_slice %arg2[%run_scoped3A, %mul3A_21] : memref<2x320000xi32, #tpu.memory_space<hbm>> -> memref<1x128xi32, #tpu.memory_space<hbm>>
          %dma_wait3A_29 = tpu.memref_squeeze %dma_wait3A_28 : memref<1x128xi32, #tpu.memory_space<hbm>> -> memref<128xi32, #tpu.memory_space<hbm>>
          tpu.wait_dma2 semaphore(%run_scoped3A_23 : memref<!tpu.dma_semaphore, #tpu.memory_space<semaphore_mem>>) src(%dma_wait3A_29 : memref<128xi32, #tpu.memory_space<hbm>>) dst(%arg6 : memref<128xi32, #tpu.memory_space<vmem>>)
          tpu.yield
        }) : () -> ()
        %run_scoped3A_22 = arith.constant 1 : i32
        "tpu.region"() ({
          %run_scoped3A_23 = tpu.sem_alloc : memref<!tpu.dma_semaphore, #tpu.memory_space<semaphore_mem>>
          %dma_start3A = tpu.memref_slice %arg2[%run_scoped3A_22, %mul3A_21] : memref<2x320000xi32, #tpu.memory_space<hbm>> -> memref<1x128xi32, #tpu.memory_space<hbm>>
          %dma_start3A_24 = tpu.memref_squeeze %dma_start3A : memref<1x128xi32, #tpu.memory_space<hbm>> -> memref<128xi32, #tpu.memory_space<hbm>>
          %dma_start3A_25 = tpu.memref_slice %arg2[%run_scoped3A_22, %mul3A_21] : memref<2x320000xi32, #tpu.memory_space<hbm>> -> memref<1x128xi32, #tpu.memory_space<hbm>>
          %dma_start3A_26 = tpu.memref_squeeze %dma_start3A_25 : memref<1x128xi32, #tpu.memory_space<hbm>> -> memref<128xi32, #tpu.memory_space<hbm>>
          tpu.enqueue_dma source(%dma_start3A_26 : memref<128xi32, #tpu.memory_space<hbm>>) target(%arg7 : memref<128xi32, #tpu.memory_space<vmem>>) target_semaphore(%run_scoped3A_23 : memref<!tpu.dma_semaphore, #tpu.memory_space<semaphore_mem>>)
          %dma_wait3A = tpu.memref_slice %arg2[%run_scoped3A_22, %mul3A_21] : memref<2x320000xi32, #tpu.memory_space<hbm>> -> memref<1x128xi32, #tpu.memory_space<hbm>>
          %dma_wait3A_27 = tpu.memref_squeeze %dma_wait3A : memref<1x128xi32, #tpu.memory_space<hbm>> -> memref<128xi32, #tpu.memory_space<hbm>>
          %dma_wait3A_28 = tpu.memref_slice %arg2[%run_scoped3A_22, %mul3A_21] : memref<2x320000xi32, #tpu.memory_space<hbm>> -> memref<1x128xi32, #tpu.memory_space<hbm>>
          %dma_wait3A_29 = tpu.memref_squeeze %dma_wait3A_28 : memref<1x128xi32, #tpu.memory_space<hbm>> -> memref<128xi32, #tpu.memory_space<hbm>>
          tpu.wait_dma2 semaphore(%run_scoped3A_23 : memref<!tpu.dma_semaphore, #tpu.memory_space<semaphore_mem>>) src(%dma_wait3A_29 : memref<128xi32, #tpu.memory_space<hbm>>) dst(%arg7 : memref<128xi32, #tpu.memory_space<vmem>>)
          tpu.yield
        }) : () -> ()
        "tpu.region"() ({
          %run_scoped3A_23 = tpu.sem_alloc : memref<!tpu.dma_semaphore, #tpu.memory_space<semaphore_mem>>
          %dma_start3A = arith.constant 0 : i32
          %dma_start3A_24 = arith.constant 0 : i32
          %dma_start3A_25 = tpu.memref_slice %arg3[%dma_start3A, %dma_start3A_24] : memref<10000x128xf32, #tpu.memory_space<hbm>> -> memref<10000x128xf32, #tpu.memory_space<hbm>>
          tpu.enqueue_indirect_dma source(%dma_start3A_25 : memref<10000x128xf32, #tpu.memory_space<hbm>>) target(%arg8 : memref<128x128xf32, #tpu.memory_space<vmem>>) offsets(%arg6 : memref<128xi32, #tpu.memory_space<vmem>>) semaphore(%run_scoped3A_23 : memref<!tpu.dma_semaphore, #tpu.memory_space<semaphore_mem>>)
          %dma_wait3A = arith.constant 0 : i32
          %dma_wait3A_26 = arith.constant 0 : i32
          %dma_wait3A_27 = tpu.memref_slice %arg3[%dma_wait3A, %dma_wait3A_26] : memref<10000x128xf32, #tpu.memory_space<hbm>> -> memref<10000x128xf32, #tpu.memory_space<hbm>>
          tpu.wait_indirect_dma semaphore(%run_scoped3A_23 : memref<!tpu.dma_semaphore, #tpu.memory_space<semaphore_mem>>) src(%dma_wait3A_27 : memref<10000x128xf32, #tpu.memory_space<hbm>>) dst(%arg8 : memref<128x128xf32, #tpu.memory_space<vmem>>)
          tpu.yield
        }) : () -> ()
        "tpu.region"() ({
          %run_scoped3A_23 = tpu.sem_alloc : memref<!tpu.dma_semaphore, #tpu.memory_space<semaphore_mem>>
          %dma_start3A = arith.constant 0 : i32
          %dma_start3A_24 = arith.constant 0 : i32
          %dma_start3A_25 = tpu.memref_slice %arg9[%dma_start3A, %dma_start3A_24] : memref<10240x128xf32, #tpu.memory_space<vmem_shared>> -> memref<10240x128xf32, #tpu.memory_space<vmem_shared>>
          tpu.enqueue_indirect_dma source(%arg8 : memref<128x128xf32, #tpu.memory_space<vmem>>) target(%dma_start3A_25 : memref<10240x128xf32, #tpu.memory_space<vmem_shared>>) offsets(%arg7 : memref<128xi32, #tpu.memory_space<vmem>>) semaphore(%run_scoped3A_23 : memref<!tpu.dma_semaphore, #tpu.memory_space<semaphore_mem>>) {add = true}
          %dma_wait3A = arith.constant 0 : i32
          %dma_wait3A_26 = arith.constant 0 : i32
          %dma_wait3A_27 = tpu.memref_slice %arg9[%dma_wait3A, %dma_wait3A_26] : memref<10240x128xf32, #tpu.memory_space<vmem_shared>> -> memref<10240x128xf32, #tpu.memory_space<vmem_shared>>
          tpu.wait_indirect_dma semaphore(%run_scoped3A_23 : memref<!tpu.dma_semaphore, #tpu.memory_space<semaphore_mem>>) src(%arg8 : memref<128x128xf32, #tpu.memory_space<vmem>>) dst(%dma_wait3A_27 : memref<10240x128xf32, #tpu.memory_space<vmem_shared>>)
          tpu.yield
        }) : () -> ()
      } else {
      }
    }
    %scan3A_8 = arith.constant 79 : i32
    %barrier3A_9 = arith.constant 0 : index
    tpu.barrier barrier_id(%barrier3A_9)
    %mul3A_10 = arith.constant 640 : i32
    %mul3A_11 = arith.muli %arg1, %mul3A_10 : i32
    %mul3A_12 = arith.constant 640 : i32
    %mul3A_13 = arith.muli %arg1, %mul3A_12 : i32
    "tpu.region"() ({
      %run_scoped3A = tpu.sem_alloc : memref<!tpu.dma_semaphore, #tpu.memory_space<semaphore_mem>>
      %dma_start3A = arith.constant 0 : i32
      %dma_start3A_14 = tpu.memref_slice %arg5[%arg0, %mul3A_13, %dma_start3A] : memref<2x10240x128xf32, #tpu.memory_space<hbm>> -> memref<1x640x128xf32, #tpu.memory_space<hbm>>
      %dma_start3A_15 = tpu.memref_squeeze %dma_start3A_14 : memref<1x640x128xf32, #tpu.memory_space<hbm>> -> memref<640x128xf32, #tpu.memory_space<hbm>>
      %dma_start3A_16 = arith.constant 0 : i32
      %dma_start3A_17 = tpu.memref_slice %arg9[%mul3A_11, %dma_start3A_16] : memref<10240x128xf32, #tpu.memory_space<vmem_shared>> -> memref<640x128xf32, #tpu.memory_space<vmem_shared>>
      tpu.enqueue_dma source(%dma_start3A_17 : memref<640x128xf32, #tpu.memory_space<vmem_shared>>) target(%dma_start3A_15 : memref<640x128xf32, #tpu.memory_space<hbm>>) target_semaphore(%run_scoped3A : memref<!tpu.dma_semaphore, #tpu.memory_space<semaphore_mem>>)
      %dma_wait3A = arith.constant 0 : i32
      %dma_wait3A_18 = tpu.memref_slice %arg5[%arg0, %mul3A_13, %dma_wait3A] : memref<2x10240x128xf32, #tpu.memory_space<hbm>> -> memref<1x640x128xf32, #tpu.memory_space<hbm>>
      %dma_wait3A_19 = tpu.memref_squeeze %dma_wait3A_18 : memref<1x640x128xf32, #tpu.memory_space<hbm>> -> memref<640x128xf32, #tpu.memory_space<hbm>>
      %dma_wait3A_20 = arith.constant 0 : i32
      %dma_wait3A_21 = tpu.memref_slice %arg9[%mul3A_11, %dma_wait3A_20] : memref<10240x128xf32, #tpu.memory_space<vmem_shared>> -> memref<640x128xf32, #tpu.memory_space<vmem_shared>>
      tpu.wait_dma2 semaphore(%run_scoped3A : memref<!tpu.dma_semaphore, #tpu.memory_space<semaphore_mem>>) src(%dma_wait3A_21 : memref<640x128xf32, #tpu.memory_space<vmem_shared>>) dst(%dma_wait3A_19 : memref<640x128xf32, #tpu.memory_space<hbm>>)
      tpu.yield
    }) : () -> ()
    return
  }
}

#map = affine_map<(d0, d1) -> (0, 0)>
#map1 = affine_map<(d0, d1) -> (0, 0, 0)>
module attributes {stable_mosaic.version = 14 : i64} {
  func.func @_sc_scatter(%arg0: i32, %arg1: i32, %arg2: memref<2x320000xi32, #tpu.memory_space<hbm>>, %arg3: memref<10000x128xf32, #tpu.memory_space<hbm>>, %arg4: memref<10240x128xf32, #tpu.memory_space<hbm>>, %arg5: memref<2x10240x128xf32, #tpu.memory_space<hbm>>, %arg6: memref<128xi32, #tpu.memory_space<vmem>>, %arg7: memref<128xi32, #tpu.memory_space<vmem>>, %arg8: memref<128x128xf32, #tpu.memory_space<vmem>>, %arg9: memref<10240x128xf32, #tpu.memory_space<vmem_shared>>) attributes {dimension_semantics = [#tpu.dimension_semantics<core_parallel>, #tpu.dimension_semantics<subcore_parallel>], iteration_bounds = array<i64: 2, 16>, scalar_prefetch = 0 : i64, scratch_operands = 4 : i64, tpu.core_type = #tpu.core_type<sc_vector_subcore>, window_params = [{transform_indices = #map}, {transform_indices = #map}, {transform_indices = #map}, {transform_indices = #map1}]} {
    %mul3A = arith.constant 2 : i32
    %mul3A_0 = arith.muli %arg1, %mul3A : i32
    %add3A = arith.addi %mul3A_0, %arg0 : i32
    %mul3A_1 = arith.constant 640 : i32
    %mul3A_2 = arith.muli %arg1, %mul3A_1 : i32
    %mul3A_3 = arith.constant 640 : i32
    %mul3A_4 = arith.muli %arg1, %mul3A_3 : i32
    "tpu.region"() ({
      %run_scoped3A = tpu.sem_alloc : memref<!tpu.dma_semaphore, #tpu.memory_space<semaphore_mem>>
      %dma_start3A = arith.constant 0 : i32
      %dma_start3A_14 = tpu.memref_slice %arg9[%mul3A_4, %dma_start3A] : memref<10240x128xf32, #tpu.memory_space<vmem_shared>> -> memref<640x128xf32, #tpu.memory_space<vmem_shared>>
      %dma_start3A_15 = arith.constant 0 : i32
      %dma_start3A_16 = tpu.memref_slice %arg4[%mul3A_2, %dma_start3A_15] : memref<10240x128xf32, #tpu.memory_space<hbm>> -> memref<640x128xf32, #tpu.memory_space<hbm>>
      tpu.enqueue_dma source(%dma_start3A_16 : memref<640x128xf32, #tpu.memory_space<hbm>>) target(%dma_start3A_14 : memref<640x128xf32, #tpu.memory_space<vmem_shared>>) target_semaphore(%run_scoped3A : memref<!tpu.dma_semaphore, #tpu.memory_space<semaphore_mem>>)
      %dma_wait3A = arith.constant 0 : i32
      %dma_wait3A_17 = tpu.memref_slice %arg9[%mul3A_4, %dma_wait3A] : memref<10240x128xf32, #tpu.memory_space<vmem_shared>> -> memref<640x128xf32, #tpu.memory_space<vmem_shared>>
      %dma_wait3A_18 = arith.constant 0 : i32
      %dma_wait3A_19 = tpu.memref_slice %arg4[%mul3A_2, %dma_wait3A_18] : memref<10240x128xf32, #tpu.memory_space<hbm>> -> memref<640x128xf32, #tpu.memory_space<hbm>>
      tpu.wait_dma2 semaphore(%run_scoped3A : memref<!tpu.dma_semaphore, #tpu.memory_space<semaphore_mem>>) src(%dma_wait3A_19 : memref<640x128xf32, #tpu.memory_space<hbm>>) dst(%dma_wait3A_17 : memref<640x128xf32, #tpu.memory_space<vmem_shared>>)
      tpu.yield
    }) : () -> ()
    %barrier3A = arith.constant 0 : index
    tpu.barrier barrier_id(%barrier3A)
    %scan3A = arith.constant 0 : i32
    %scan3A_5 = arith.constant 79 : i32
    %scan3A_6 = arith.addi %scan3A, %scan3A_5 : i32
    %scan3A_7 = arith.constant 1 : i32
    scf.for %scan3A_14 = %scan3A to %scan3A_6 step %scan3A_7  : i32 {
      %mul3A_15 = arith.constant 32 : i32
      %mul3A_16 = arith.muli %scan3A_14, %mul3A_15 : i32
      %add3A_17 = arith.addi %add3A, %mul3A_16 : i32
      %lt3A = arith.constant 2500 : i32
      %lt3A_18 = arith.cmpi slt, %add3A_17, %lt3A : i32
      %convert_element_type3A = arith.extui %lt3A_18 : i1 to i32
      %cond3A = arith.constant 0 : i32
      %cond3A_19 = arith.cmpi ne, %convert_element_type3A, %cond3A : i32
      scf.if %cond3A_19 {
        %mul3A_20 = arith.constant 128 : i32
        %mul3A_21 = arith.muli %add3A_17, %mul3A_20 : i32
        %run_scoped3A = arith.constant 0 : i32
        "tpu.region"() ({
          %run_scoped3A_23 = tpu.sem_alloc : memref<!tpu.dma_semaphore, #tpu.memory_space<semaphore_mem>>
          %dma_start3A = tpu.memref_slice %arg2[%run_scoped3A, %mul3A_21] : memref<2x320000xi32, #tpu.memory_space<hbm>> -> memref<1x128xi32, #tpu.memory_space<hbm>>
          %dma_start3A_24 = tpu.memref_squeeze %dma_start3A : memref<1x128xi32, #tpu.memory_space<hbm>> -> memref<128xi32, #tpu.memory_space<hbm>>
          %dma_start3A_25 = tpu.memref_slice %arg2[%run_scoped3A, %mul3A_21] : memref<2x320000xi32, #tpu.memory_space<hbm>> -> memref<1x128xi32, #tpu.memory_space<hbm>>
          %dma_start3A_26 = tpu.memref_squeeze %dma_start3A_25 : memref<1x128xi32, #tpu.memory_space<hbm>> -> memref<128xi32, #tpu.memory_space<hbm>>
          tpu.enqueue_dma source(%dma_start3A_26 : memref<128xi32, #tpu.memory_space<hbm>>) target(%arg6 : memref<128xi32, #tpu.memory_space<vmem>>) target_semaphore(%run_scoped3A_23 : memref<!tpu.dma_semaphore, #tpu.memory_space<semaphore_mem>>)
          %dma_wait3A = tpu.memref_slice %arg2[%run_scoped3A, %mul3A_21] : memref<2x320000xi32, #tpu.memory_space<hbm>> -> memref<1x128xi32, #tpu.memory_space<hbm>>
          %dma_wait3A_27 = tpu.memref_squeeze %dma_wait3A : memref<1x128xi32, #tpu.memory_space<hbm>> -> memref<128xi32, #tpu.memory_space<hbm>>
          %dma_wait3A_28 = tpu.memref_slice %arg2[%run_scoped3A, %mul3A_21] : memref<2x320000xi32, #tpu.memory_space<hbm>> -> memref<1x128xi32, #tpu.memory_space<hbm>>
          %dma_wait3A_29 = tpu.memref_squeeze %dma_wait3A_28 : memref<1x128xi32, #tpu.memory_space<hbm>> -> memref<128xi32, #tpu.memory_space<hbm>>
          tpu.wait_dma2 semaphore(%run_scoped3A_23 : memref<!tpu.dma_semaphore, #tpu.memory_space<semaphore_mem>>) src(%dma_wait3A_29 : memref<128xi32, #tpu.memory_space<hbm>>) dst(%arg6 : memref<128xi32, #tpu.memory_space<vmem>>)
          tpu.yield
        }) : () -> ()
        %run_scoped3A_22 = arith.constant 1 : i32
        "tpu.region"() ({
          %run_scoped3A_23 = tpu.sem_alloc : memref<!tpu.dma_semaphore, #tpu.memory_space<semaphore_mem>>
          %dma_start3A = tpu.memref_slice %arg2[%run_scoped3A_22, %mul3A_21] : memref<2x320000xi32, #tpu.memory_space<hbm>> -> memref<1x128xi32, #tpu.memory_space<hbm>>
          %dma_start3A_24 = tpu.memref_squeeze %dma_start3A : memref<1x128xi32, #tpu.memory_space<hbm>> -> memref<128xi32, #tpu.memory_space<hbm>>
          %dma_start3A_25 = tpu.memref_slice %arg2[%run_scoped3A_22, %mul3A_21] : memref<2x320000xi32, #tpu.memory_space<hbm>> -> memref<1x128xi32, #tpu.memory_space<hbm>>
          %dma_start3A_26 = tpu.memref_squeeze %dma_start3A_25 : memref<1x128xi32, #tpu.memory_space<hbm>> -> memref<128xi32, #tpu.memory_space<hbm>>
          tpu.enqueue_dma source(%dma_start3A_26 : memref<128xi32, #tpu.memory_space<hbm>>) target(%arg7 : memref<128xi32, #tpu.memory_space<vmem>>) target_semaphore(%run_scoped3A_23 : memref<!tpu.dma_semaphore, #tpu.memory_space<semaphore_mem>>)
          %dma_wait3A = tpu.memref_slice %arg2[%run_scoped3A_22, %mul3A_21] : memref<2x320000xi32, #tpu.memory_space<hbm>> -> memref<1x128xi32, #tpu.memory_space<hbm>>
          %dma_wait3A_27 = tpu.memref_squeeze %dma_wait3A : memref<1x128xi32, #tpu.memory_space<hbm>> -> memref<128xi32, #tpu.memory_space<hbm>>
          %dma_wait3A_28 = tpu.memref_slice %arg2[%run_scoped3A_22, %mul3A_21] : memref<2x320000xi32, #tpu.memory_space<hbm>> -> memref<1x128xi32, #tpu.memory_space<hbm>>
          %dma_wait3A_29 = tpu.memref_squeeze %dma_wait3A_28 : memref<1x128xi32, #tpu.memory_space<hbm>> -> memref<128xi32, #tpu.memory_space<hbm>>
          tpu.wait_dma2 semaphore(%run_scoped3A_23 : memref<!tpu.dma_semaphore, #tpu.memory_space<semaphore_mem>>) src(%dma_wait3A_29 : memref<128xi32, #tpu.memory_space<hbm>>) dst(%arg7 : memref<128xi32, #tpu.memory_space<vmem>>)
          tpu.yield
        }) : () -> ()
        "tpu.region"() ({
          %run_scoped3A_23 = tpu.sem_alloc : memref<!tpu.dma_semaphore, #tpu.memory_space<semaphore_mem>>
          %dma_start3A = arith.constant 0 : i32
          %dma_start3A_24 = arith.constant 0 : i32
          %dma_start3A_25 = tpu.memref_slice %arg3[%dma_start3A, %dma_start3A_24] : memref<10000x128xf32, #tpu.memory_space<hbm>> -> memref<10000x128xf32, #tpu.memory_space<hbm>>
          tpu.enqueue_indirect_dma source(%dma_start3A_25 : memref<10000x128xf32, #tpu.memory_space<hbm>>) target(%arg8 : memref<128x128xf32, #tpu.memory_space<vmem>>) offsets(%arg6 : memref<128xi32, #tpu.memory_space<vmem>>) semaphore(%run_scoped3A_23 : memref<!tpu.dma_semaphore, #tpu.memory_space<semaphore_mem>>)
          %dma_wait3A = arith.constant 0 : i32
          %dma_wait3A_26 = arith.constant 0 : i32
          %dma_wait3A_27 = tpu.memref_slice %arg3[%dma_wait3A, %dma_wait3A_26] : memref<10000x128xf32, #tpu.memory_space<hbm>> -> memref<10000x128xf32, #tpu.memory_space<hbm>>
          tpu.wait_indirect_dma semaphore(%run_scoped3A_23 : memref<!tpu.dma_semaphore, #tpu.memory_space<semaphore_mem>>) src(%dma_wait3A_27 : memref<10000x128xf32, #tpu.memory_space<hbm>>) dst(%arg8 : memref<128x128xf32, #tpu.memory_space<vmem>>)
          tpu.yield
        }) : () -> ()
        "tpu.region"() ({
          %run_scoped3A_23 = tpu.sem_alloc : memref<!tpu.dma_semaphore, #tpu.memory_space<semaphore_mem>>
          %dma_start3A = arith.constant 0 : i32
          %dma_start3A_24 = arith.constant 0 : i32
          %dma_start3A_25 = tpu.memref_slice %arg9[%dma_start3A, %dma_start3A_24] : memref<10240x128xf32, #tpu.memory_space<vmem_shared>> -> memref<10240x128xf32, #tpu.memory_space<vmem_shared>>
          tpu.enqueue_indirect_dma source(%arg8 : memref<128x128xf32, #tpu.memory_space<vmem>>) target(%dma_start3A_25 : memref<10240x128xf32, #tpu.memory_space<vmem_shared>>) offsets(%arg7 : memref<128xi32, #tpu.memory_space<vmem>>) semaphore(%run_scoped3A_23 : memref<!tpu.dma_semaphore, #tpu.memory_space<semaphore_mem>>) {add = true}
          %dma_wait3A = arith.constant 0 : i32
          %dma_wait3A_26 = arith.constant 0 : i32
          %dma_wait3A_27 = tpu.memref_slice %arg9[%dma_wait3A, %dma_wait3A_26] : memref<10240x128xf32, #tpu.memory_space<vmem_shared>> -> memref<10240x128xf32, #tpu.memory_space<vmem_shared>>
          tpu.wait_indirect_dma semaphore(%run_scoped3A_23 : memref<!tpu.dma_semaphore, #tpu.memory_space<semaphore_mem>>) src(%arg8 : memref<128x128xf32, #tpu.memory_space<vmem>>) dst(%dma_wait3A_27 : memref<10240x128xf32, #tpu.memory_space<vmem_shared>>)
          tpu.yield
        }) : () -> ()
      } else {
      }
    }
    %scan3A_8 = arith.constant 79 : i32
    %barrier3A_9 = arith.constant 0 : index
    tpu.barrier barrier_id(%barrier3A_9)
    %mul3A_10 = arith.constant 640 : i32
    %mul3A_11 = arith.muli %arg1, %mul3A_10 : i32
    %mul3A_12 = arith.constant 640 : i32
    %mul3A_13 = arith.muli %arg1, %mul3A_12 : i32
    "tpu.region"() ({
      %run_scoped3A = tpu.sem_alloc : memref<!tpu.dma_semaphore, #tpu.memory_space<semaphore_mem>>
      %dma_start3A = arith.constant 0 : i32
      %dma_start3A_14 = tpu.memref_slice %arg5[%arg0, %mul3A_13, %dma_start3A] : memref<2x10240x128xf32, #tpu.memory_space<hbm>> -> memref<1x640x128xf32, #tpu.memory_space<hbm>>
      %dma_start3A_15 = tpu.memref_squeeze %dma_start3A_14 : memref<1x640x128xf32, #tpu.memory_space<hbm>> -> memref<640x128xf32, #tpu.memory_space<hbm>>
      %dma_start3A_16 = arith.constant 0 : i32
      %dma_start3A_17 = tpu.memref_slice %arg9[%mul3A_11, %dma_start3A_16] : memref<10240x128xf32, #tpu.memory_space<vmem_shared>> -> memref<640x128xf32, #tpu.memory_space<vmem_shared>>
      tpu.enqueue_dma source(%dma_start3A_17 : memref<640x128xf32, #tpu.memory_space<vmem_shared>>) target(%dma_start3A_15 : memref<640x128xf32, #tpu.memory_space<hbm>>) target_semaphore(%run_scoped3A : memref<!tpu.dma_semaphore, #tpu.memory_space<semaphore_mem>>)
      %dma_wait3A = arith.constant 0 : i32
      %dma_wait3A_18 = tpu.memref_slice %arg5[%arg0, %mul3A_13, %dma_wait3A] : memref<2x10240x128xf32, #tpu.memory_space<hbm>> -> memref<1x640x128xf32, #tpu.memory_space<hbm>>
      %dma_wait3A_19 = tpu.memref_squeeze %dma_wait3A_18 : memref<1x640x128xf32, #tpu.memory_space<hbm>> -> memref<640x128xf32, #tpu.memory_space<hbm>>
      %dma_wait3A_20 = arith.constant 0 : i32
      %dma_wait3A_21 = tpu.memref_slice %arg9[%mul3A_11, %dma_wait3A_20] : memref<10240x128xf32, #tpu.memory_space<vmem_shared>> -> memref<640x128xf32, #tpu.memory_space<vmem_shared>>
      tpu.wait_dma2 semaphore(%run_scoped3A : memref<!tpu.dma_semaphore, #tpu.memory_space<semaphore_mem>>) src(%dma_wait3A_21 : memref<640x128xf32, #tpu.memory_space<vmem_shared>>) dst(%dma_wait3A_19 : memref<640x128xf32, #tpu.memory_space<hbm>>)
      tpu.yield
    }) : () -> ()
    return
  }
}

#map = affine_map<(d0, d1) -> (0, 0)>
#map1 = affine_map<(d0, d1) -> (0, 0, 0)>
module attributes {stable_mosaic.version = 14 : i64} {
  func.func @_sc_scatter(%arg0: i32, %arg1: i32, %arg2: memref<2x320000xi32, #tpu.memory_space<hbm>>, %arg3: memref<10000x128xf32, #tpu.memory_space<hbm>>, %arg4: memref<10240x128xf32, #tpu.memory_space<hbm>>, %arg5: memref<2x10240x128xf32, #tpu.memory_space<hbm>>, %arg6: memref<128xi32, #tpu.memory_space<vmem>>, %arg7: memref<128xi32, #tpu.memory_space<vmem>>, %arg8: memref<128x128xf32, #tpu.memory_space<vmem>>, %arg9: memref<10240x128xf32, #tpu.memory_space<vmem_shared>>) attributes {dimension_semantics = [#tpu.dimension_semantics<core_parallel>, #tpu.dimension_semantics<subcore_parallel>], iteration_bounds = array<i64: 2, 16>, scalar_prefetch = 0 : i64, scratch_operands = 4 : i64, tpu.core_type = #tpu.core_type<sc_vector_subcore>, window_params = [{transform_indices = #map}, {transform_indices = #map}, {transform_indices = #map}, {transform_indices = #map1}]} {
    %mul3A = arith.constant 2 : i32
    %mul3A_0 = arith.muli %arg1, %mul3A : i32
    %add3A = arith.addi %mul3A_0, %arg0 : i32
    %mul3A_1 = arith.constant 640 : i32
    %mul3A_2 = arith.muli %arg1, %mul3A_1 : i32
    %mul3A_3 = arith.constant 640 : i32
    %mul3A_4 = arith.muli %arg1, %mul3A_3 : i32
    "tpu.region"() ({
      %run_scoped3A = tpu.sem_alloc : memref<!tpu.dma_semaphore, #tpu.memory_space<semaphore_mem>>
      %dma_start3A = arith.constant 0 : i32
      %dma_start3A_14 = tpu.memref_slice %arg9[%mul3A_4, %dma_start3A] : memref<10240x128xf32, #tpu.memory_space<vmem_shared>> -> memref<640x128xf32, #tpu.memory_space<vmem_shared>>
      %dma_start3A_15 = arith.constant 0 : i32
      %dma_start3A_16 = tpu.memref_slice %arg4[%mul3A_2, %dma_start3A_15] : memref<10240x128xf32, #tpu.memory_space<hbm>> -> memref<640x128xf32, #tpu.memory_space<hbm>>
      tpu.enqueue_dma source(%dma_start3A_16 : memref<640x128xf32, #tpu.memory_space<hbm>>) target(%dma_start3A_14 : memref<640x128xf32, #tpu.memory_space<vmem_shared>>) target_semaphore(%run_scoped3A : memref<!tpu.dma_semaphore, #tpu.memory_space<semaphore_mem>>)
      %dma_wait3A = arith.constant 0 : i32
      %dma_wait3A_17 = tpu.memref_slice %arg9[%mul3A_4, %dma_wait3A] : memref<10240x128xf32, #tpu.memory_space<vmem_shared>> -> memref<640x128xf32, #tpu.memory_space<vmem_shared>>
      %dma_wait3A_18 = arith.constant 0 : i32
      %dma_wait3A_19 = tpu.memref_slice %arg4[%mul3A_2, %dma_wait3A_18] : memref<10240x128xf32, #tpu.memory_space<hbm>> -> memref<640x128xf32, #tpu.memory_space<hbm>>
      tpu.wait_dma2 semaphore(%run_scoped3A : memref<!tpu.dma_semaphore, #tpu.memory_space<semaphore_mem>>) src(%dma_wait3A_19 : memref<640x128xf32, #tpu.memory_space<hbm>>) dst(%dma_wait3A_17 : memref<640x128xf32, #tpu.memory_space<vmem_shared>>)
      tpu.yield
    }) : () -> ()
    %barrier3A = arith.constant 0 : index
    tpu.barrier barrier_id(%barrier3A)
    %scan3A = arith.constant 0 : i32
    %scan3A_5 = arith.constant 79 : i32
    %scan3A_6 = arith.addi %scan3A, %scan3A_5 : i32
    %scan3A_7 = arith.constant 1 : i32
    scf.for %scan3A_14 = %scan3A to %scan3A_6 step %scan3A_7  : i32 {
      %mul3A_15 = arith.constant 32 : i32
      %mul3A_16 = arith.muli %scan3A_14, %mul3A_15 : i32
      %add3A_17 = arith.addi %add3A, %mul3A_16 : i32
      %lt3A = arith.constant 2500 : i32
      %lt3A_18 = arith.cmpi slt, %add3A_17, %lt3A : i32
      %convert_element_type3A = arith.extui %lt3A_18 : i1 to i32
      %cond3A = arith.constant 0 : i32
      %cond3A_19 = arith.cmpi ne, %convert_element_type3A, %cond3A : i32
      scf.if %cond3A_19 {
        %mul3A_20 = arith.constant 128 : i32
        %mul3A_21 = arith.muli %add3A_17, %mul3A_20 : i32
        %run_scoped3A = arith.constant 0 : i32
        "tpu.region"() ({
          %run_scoped3A_23 = tpu.sem_alloc : memref<!tpu.dma_semaphore, #tpu.memory_space<semaphore_mem>>
          %dma_start3A = tpu.memref_slice %arg2[%run_scoped3A, %mul3A_21] : memref<2x320000xi32, #tpu.memory_space<hbm>> -> memref<1x128xi32, #tpu.memory_space<hbm>>
          %dma_start3A_24 = tpu.memref_squeeze %dma_start3A : memref<1x128xi32, #tpu.memory_space<hbm>> -> memref<128xi32, #tpu.memory_space<hbm>>
          %dma_start3A_25 = tpu.memref_slice %arg2[%run_scoped3A, %mul3A_21] : memref<2x320000xi32, #tpu.memory_space<hbm>> -> memref<1x128xi32, #tpu.memory_space<hbm>>
          %dma_start3A_26 = tpu.memref_squeeze %dma_start3A_25 : memref<1x128xi32, #tpu.memory_space<hbm>> -> memref<128xi32, #tpu.memory_space<hbm>>
          tpu.enqueue_dma source(%dma_start3A_26 : memref<128xi32, #tpu.memory_space<hbm>>) target(%arg6 : memref<128xi32, #tpu.memory_space<vmem>>) target_semaphore(%run_scoped3A_23 : memref<!tpu.dma_semaphore, #tpu.memory_space<semaphore_mem>>)
          %dma_wait3A = tpu.memref_slice %arg2[%run_scoped3A, %mul3A_21] : memref<2x320000xi32, #tpu.memory_space<hbm>> -> memref<1x128xi32, #tpu.memory_space<hbm>>
          %dma_wait3A_27 = tpu.memref_squeeze %dma_wait3A : memref<1x128xi32, #tpu.memory_space<hbm>> -> memref<128xi32, #tpu.memory_space<hbm>>
          %dma_wait3A_28 = tpu.memref_slice %arg2[%run_scoped3A, %mul3A_21] : memref<2x320000xi32, #tpu.memory_space<hbm>> -> memref<1x128xi32, #tpu.memory_space<hbm>>
          %dma_wait3A_29 = tpu.memref_squeeze %dma_wait3A_28 : memref<1x128xi32, #tpu.memory_space<hbm>> -> memref<128xi32, #tpu.memory_space<hbm>>
          tpu.wait_dma2 semaphore(%run_scoped3A_23 : memref<!tpu.dma_semaphore, #tpu.memory_space<semaphore_mem>>) src(%dma_wait3A_29 : memref<128xi32, #tpu.memory_space<hbm>>) dst(%arg6 : memref<128xi32, #tpu.memory_space<vmem>>)
          tpu.yield
        }) : () -> ()
        %run_scoped3A_22 = arith.constant 1 : i32
        "tpu.region"() ({
          %run_scoped3A_23 = tpu.sem_alloc : memref<!tpu.dma_semaphore, #tpu.memory_space<semaphore_mem>>
          %dma_start3A = tpu.memref_slice %arg2[%run_scoped3A_22, %mul3A_21] : memref<2x320000xi32, #tpu.memory_space<hbm>> -> memref<1x128xi32, #tpu.memory_space<hbm>>
          %dma_start3A_24 = tpu.memref_squeeze %dma_start3A : memref<1x128xi32, #tpu.memory_space<hbm>> -> memref<128xi32, #tpu.memory_space<hbm>>
          %dma_start3A_25 = tpu.memref_slice %arg2[%run_scoped3A_22, %mul3A_21] : memref<2x320000xi32, #tpu.memory_space<hbm>> -> memref<1x128xi32, #tpu.memory_space<hbm>>
          %dma_start3A_26 = tpu.memref_squeeze %dma_start3A_25 : memref<1x128xi32, #tpu.memory_space<hbm>> -> memref<128xi32, #tpu.memory_space<hbm>>
          tpu.enqueue_dma source(%dma_start3A_26 : memref<128xi32, #tpu.memory_space<hbm>>) target(%arg7 : memref<128xi32, #tpu.memory_space<vmem>>) target_semaphore(%run_scoped3A_23 : memref<!tpu.dma_semaphore, #tpu.memory_space<semaphore_mem>>)
          %dma_wait3A = tpu.memref_slice %arg2[%run_scoped3A_22, %mul3A_21] : memref<2x320000xi32, #tpu.memory_space<hbm>> -> memref<1x128xi32, #tpu.memory_space<hbm>>
          %dma_wait3A_27 = tpu.memref_squeeze %dma_wait3A : memref<1x128xi32, #tpu.memory_space<hbm>> -> memref<128xi32, #tpu.memory_space<hbm>>
          %dma_wait3A_28 = tpu.memref_slice %arg2[%run_scoped3A_22, %mul3A_21] : memref<2x320000xi32, #tpu.memory_space<hbm>> -> memref<1x128xi32, #tpu.memory_space<hbm>>
          %dma_wait3A_29 = tpu.memref_squeeze %dma_wait3A_28 : memref<1x128xi32, #tpu.memory_space<hbm>> -> memref<128xi32, #tpu.memory_space<hbm>>
          tpu.wait_dma2 semaphore(%run_scoped3A_23 : memref<!tpu.dma_semaphore, #tpu.memory_space<semaphore_mem>>) src(%dma_wait3A_29 : memref<128xi32, #tpu.memory_space<hbm>>) dst(%arg7 : memref<128xi32, #tpu.memory_space<vmem>>)
          tpu.yield
        }) : () -> ()
        "tpu.region"() ({
          %run_scoped3A_23 = tpu.sem_alloc : memref<!tpu.dma_semaphore, #tpu.memory_space<semaphore_mem>>
          %dma_start3A = arith.constant 0 : i32
          %dma_start3A_24 = arith.constant 0 : i32
          %dma_start3A_25 = tpu.memref_slice %arg3[%dma_start3A, %dma_start3A_24] : memref<10000x128xf32, #tpu.memory_space<hbm>> -> memref<10000x128xf32, #tpu.memory_space<hbm>>
          tpu.enqueue_indirect_dma source(%dma_start3A_25 : memref<10000x128xf32, #tpu.memory_space<hbm>>) target(%arg8 : memref<128x128xf32, #tpu.memory_space<vmem>>) offsets(%arg6 : memref<128xi32, #tpu.memory_space<vmem>>) semaphore(%run_scoped3A_23 : memref<!tpu.dma_semaphore, #tpu.memory_space<semaphore_mem>>)
          %dma_wait3A = arith.constant 0 : i32
          %dma_wait3A_26 = arith.constant 0 : i32
          %dma_wait3A_27 = tpu.memref_slice %arg3[%dma_wait3A, %dma_wait3A_26] : memref<10000x128xf32, #tpu.memory_space<hbm>> -> memref<10000x128xf32, #tpu.memory_space<hbm>>
          tpu.wait_indirect_dma semaphore(%run_scoped3A_23 : memref<!tpu.dma_semaphore, #tpu.memory_space<semaphore_mem>>) src(%dma_wait3A_27 : memref<10000x128xf32, #tpu.memory_space<hbm>>) dst(%arg8 : memref<128x128xf32, #tpu.memory_space<vmem>>)
          tpu.yield
        }) : () -> ()
        "tpu.region"() ({
          %run_scoped3A_23 = tpu.sem_alloc : memref<!tpu.dma_semaphore, #tpu.memory_space<semaphore_mem>>
          %dma_start3A = arith.constant 0 : i32
          %dma_start3A_24 = arith.constant 0 : i32
          %dma_start3A_25 = tpu.memref_slice %arg9[%dma_start3A, %dma_start3A_24] : memref<10240x128xf32, #tpu.memory_space<vmem_shared>> -> memref<10240x128xf32, #tpu.memory_space<vmem_shared>>
          tpu.enqueue_indirect_dma source(%arg8 : memref<128x128xf32, #tpu.memory_space<vmem>>) target(%dma_start3A_25 : memref<10240x128xf32, #tpu.memory_space<vmem_shared>>) offsets(%arg7 : memref<128xi32, #tpu.memory_space<vmem>>) semaphore(%run_scoped3A_23 : memref<!tpu.dma_semaphore, #tpu.memory_space<semaphore_mem>>) {add = true}
          %dma_wait3A = arith.constant 0 : i32
          %dma_wait3A_26 = arith.constant 0 : i32
          %dma_wait3A_27 = tpu.memref_slice %arg9[%dma_wait3A, %dma_wait3A_26] : memref<10240x128xf32, #tpu.memory_space<vmem_shared>> -> memref<10240x128xf32, #tpu.memory_space<vmem_shared>>
          tpu.wait_indirect_dma semaphore(%run_scoped3A_23 : memref<!tpu.dma_semaphore, #tpu.memory_space<semaphore_mem>>) src(%arg8 : memref<128x128xf32, #tpu.memory_space<vmem>>) dst(%dma_wait3A_27 : memref<10240x128xf32, #tpu.memory_space<vmem_shared>>)
          tpu.yield
        }) : () -> ()
      } else {
      }
    }
    %scan3A_8 = arith.constant 79 : i32
    %barrier3A_9 = arith.constant 0 : index
    tpu.barrier barrier_id(%barrier3A_9)
    %mul3A_10 = arith.constant 640 : i32
    %mul3A_11 = arith.muli %arg1, %mul3A_10 : i32
    %mul3A_12 = arith.constant 640 : i32
    %mul3A_13 = arith.muli %arg1, %mul3A_12 : i32
    "tpu.region"() ({
      %run_scoped3A = tpu.sem_alloc : memref<!tpu.dma_semaphore, #tpu.memory_space<semaphore_mem>>
      %dma_start3A = arith.constant 0 : i32
      %dma_start3A_14 = tpu.memref_slice %arg5[%arg0, %mul3A_13, %dma_start3A] : memref<2x10240x128xf32, #tpu.memory_space<hbm>> -> memref<1x640x128xf32, #tpu.memory_space<hbm>>
      %dma_start3A_15 = tpu.memref_squeeze %dma_start3A_14 : memref<1x640x128xf32, #tpu.memory_space<hbm>> -> memref<640x128xf32, #tpu.memory_space<hbm>>
      %dma_start3A_16 = arith.constant 0 : i32
      %dma_start3A_17 = tpu.memref_slice %arg9[%mul3A_11, %dma_start3A_16] : memref<10240x128xf32, #tpu.memory_space<vmem_shared>> -> memref<640x128xf32, #tpu.memory_space<vmem_shared>>
      tpu.enqueue_dma source(%dma_start3A_17 : memref<640x128xf32, #tpu.memory_space<vmem_shared>>) target(%dma_start3A_15 : memref<640x128xf32, #tpu.memory_space<hbm>>) target_semaphore(%run_scoped3A : memref<!tpu.dma_semaphore, #tpu.memory_space<semaphore_mem>>)
      %dma_wait3A = arith.constant 0 : i32
      %dma_wait3A_18 = tpu.memref_slice %arg5[%arg0, %mul3A_13, %dma_wait3A] : memref<2x10240x128xf32, #tpu.memory_space<hbm>> -> memref<1x640x128xf32, #tpu.memory_space<hbm>>
      %dma_wait3A_19 = tpu.memref_squeeze %dma_wait3A_18 : memref<1x640x128xf32, #tpu.memory_space<hbm>> -> memref<640x128xf32, #tpu.memory_space<hbm>>
      %dma_wait3A_20 = arith.constant 0 : i32
      %dma_wait3A_21 = tpu.memref_slice %arg9[%mul3A_11, %dma_wait3A_20] : memref<10240x128xf32, #tpu.memory_space<vmem_shared>> -> memref<640x128xf32, #tpu.memory_space<vmem_shared>>
      tpu.wait_dma2 semaphore(%run_scoped3A : memref<!tpu.dma_semaphore, #tpu.memory_space<semaphore_mem>>) src(%dma_wait3A_21 : memref<640x128xf32, #tpu.memory_space<vmem_shared>>) dst(%dma_wait3A_19 : memref<640x128xf32, #tpu.memory_space<hbm>>)
      tpu.yield
    }) : () -> ()
    return
  }
}

#map = affine_map<(d0, d1) -> (0, 0)>
#map1 = affine_map<(d0, d1) -> (0, 0, 0)>
module attributes {stable_mosaic.version = 14 : i64} {
  func.func @_sc_scatter(%arg0: i32, %arg1: i32, %arg2: memref<2x320000xi32, #tpu.memory_space<hbm>>, %arg3: memref<10000x128xf32, #tpu.memory_space<hbm>>, %arg4: memref<10240x128xf32, #tpu.memory_space<hbm>>, %arg5: memref<2x10240x128xf32, #tpu.memory_space<hbm>>, %arg6: memref<128xi32, #tpu.memory_space<vmem>>, %arg7: memref<128xi32, #tpu.memory_space<vmem>>, %arg8: memref<128x128xf32, #tpu.memory_space<vmem>>, %arg9: memref<10240x128xf32, #tpu.memory_space<vmem_shared>>) attributes {dimension_semantics = [#tpu.dimension_semantics<core_parallel>, #tpu.dimension_semantics<subcore_parallel>], iteration_bounds = array<i64: 2, 16>, scalar_prefetch = 0 : i64, scratch_operands = 4 : i64, tpu.core_type = #tpu.core_type<sc_vector_subcore>, window_params = [{transform_indices = #map}, {transform_indices = #map}, {transform_indices = #map}, {transform_indices = #map1}]} {
    %mul3A = arith.constant 2 : i32
    %mul3A_0 = arith.muli %arg1, %mul3A : i32
    %add3A = arith.addi %mul3A_0, %arg0 : i32
    %mul3A_1 = arith.constant 640 : i32
    %mul3A_2 = arith.muli %arg1, %mul3A_1 : i32
    %mul3A_3 = arith.constant 640 : i32
    %mul3A_4 = arith.muli %arg1, %mul3A_3 : i32
    "tpu.region"() ({
      %run_scoped3A = tpu.sem_alloc : memref<!tpu.dma_semaphore, #tpu.memory_space<semaphore_mem>>
      %dma_start3A = arith.constant 0 : i32
      %dma_start3A_14 = tpu.memref_slice %arg9[%mul3A_4, %dma_start3A] : memref<10240x128xf32, #tpu.memory_space<vmem_shared>> -> memref<640x128xf32, #tpu.memory_space<vmem_shared>>
      %dma_start3A_15 = arith.constant 0 : i32
      %dma_start3A_16 = tpu.memref_slice %arg4[%mul3A_2, %dma_start3A_15] : memref<10240x128xf32, #tpu.memory_space<hbm>> -> memref<640x128xf32, #tpu.memory_space<hbm>>
      tpu.enqueue_dma source(%dma_start3A_16 : memref<640x128xf32, #tpu.memory_space<hbm>>) target(%dma_start3A_14 : memref<640x128xf32, #tpu.memory_space<vmem_shared>>) target_semaphore(%run_scoped3A : memref<!tpu.dma_semaphore, #tpu.memory_space<semaphore_mem>>)
      %dma_wait3A = arith.constant 0 : i32
      %dma_wait3A_17 = tpu.memref_slice %arg9[%mul3A_4, %dma_wait3A] : memref<10240x128xf32, #tpu.memory_space<vmem_shared>> -> memref<640x128xf32, #tpu.memory_space<vmem_shared>>
      %dma_wait3A_18 = arith.constant 0 : i32
      %dma_wait3A_19 = tpu.memref_slice %arg4[%mul3A_2, %dma_wait3A_18] : memref<10240x128xf32, #tpu.memory_space<hbm>> -> memref<640x128xf32, #tpu.memory_space<hbm>>
      tpu.wait_dma2 semaphore(%run_scoped3A : memref<!tpu.dma_semaphore, #tpu.memory_space<semaphore_mem>>) src(%dma_wait3A_19 : memref<640x128xf32, #tpu.memory_space<hbm>>) dst(%dma_wait3A_17 : memref<640x128xf32, #tpu.memory_space<vmem_shared>>)
      tpu.yield
    }) : () -> ()
    %barrier3A = arith.constant 0 : index
    tpu.barrier barrier_id(%barrier3A)
    %scan3A = arith.constant 0 : i32
    %scan3A_5 = arith.constant 79 : i32
    %scan3A_6 = arith.addi %scan3A, %scan3A_5 : i32
    %scan3A_7 = arith.constant 1 : i32
    scf.for %scan3A_14 = %scan3A to %scan3A_6 step %scan3A_7  : i32 {
      %mul3A_15 = arith.constant 32 : i32
      %mul3A_16 = arith.muli %scan3A_14, %mul3A_15 : i32
      %add3A_17 = arith.addi %add3A, %mul3A_16 : i32
      %lt3A = arith.constant 2500 : i32
      %lt3A_18 = arith.cmpi slt, %add3A_17, %lt3A : i32
      %convert_element_type3A = arith.extui %lt3A_18 : i1 to i32
      %cond3A = arith.constant 0 : i32
      %cond3A_19 = arith.cmpi ne, %convert_element_type3A, %cond3A : i32
      scf.if %cond3A_19 {
        %mul3A_20 = arith.constant 128 : i32
        %mul3A_21 = arith.muli %add3A_17, %mul3A_20 : i32
        %run_scoped3A = arith.constant 0 : i32
        "tpu.region"() ({
          %run_scoped3A_23 = tpu.sem_alloc : memref<!tpu.dma_semaphore, #tpu.memory_space<semaphore_mem>>
          %dma_start3A = tpu.memref_slice %arg2[%run_scoped3A, %mul3A_21] : memref<2x320000xi32, #tpu.memory_space<hbm>> -> memref<1x128xi32, #tpu.memory_space<hbm>>
          %dma_start3A_24 = tpu.memref_squeeze %dma_start3A : memref<1x128xi32, #tpu.memory_space<hbm>> -> memref<128xi32, #tpu.memory_space<hbm>>
          %dma_start3A_25 = tpu.memref_slice %arg2[%run_scoped3A, %mul3A_21] : memref<2x320000xi32, #tpu.memory_space<hbm>> -> memref<1x128xi32, #tpu.memory_space<hbm>>
          %dma_start3A_26 = tpu.memref_squeeze %dma_start3A_25 : memref<1x128xi32, #tpu.memory_space<hbm>> -> memref<128xi32, #tpu.memory_space<hbm>>
          tpu.enqueue_dma source(%dma_start3A_26 : memref<128xi32, #tpu.memory_space<hbm>>) target(%arg6 : memref<128xi32, #tpu.memory_space<vmem>>) target_semaphore(%run_scoped3A_23 : memref<!tpu.dma_semaphore, #tpu.memory_space<semaphore_mem>>)
          %dma_wait3A = tpu.memref_slice %arg2[%run_scoped3A, %mul3A_21] : memref<2x320000xi32, #tpu.memory_space<hbm>> -> memref<1x128xi32, #tpu.memory_space<hbm>>
          %dma_wait3A_27 = tpu.memref_squeeze %dma_wait3A : memref<1x128xi32, #tpu.memory_space<hbm>> -> memref<128xi32, #tpu.memory_space<hbm>>
          %dma_wait3A_28 = tpu.memref_slice %arg2[%run_scoped3A, %mul3A_21] : memref<2x320000xi32, #tpu.memory_space<hbm>> -> memref<1x128xi32, #tpu.memory_space<hbm>>
          %dma_wait3A_29 = tpu.memref_squeeze %dma_wait3A_28 : memref<1x128xi32, #tpu.memory_space<hbm>> -> memref<128xi32, #tpu.memory_space<hbm>>
          tpu.wait_dma2 semaphore(%run_scoped3A_23 : memref<!tpu.dma_semaphore, #tpu.memory_space<semaphore_mem>>) src(%dma_wait3A_29 : memref<128xi32, #tpu.memory_space<hbm>>) dst(%arg6 : memref<128xi32, #tpu.memory_space<vmem>>)
          tpu.yield
        }) : () -> ()
        %run_scoped3A_22 = arith.constant 1 : i32
        "tpu.region"() ({
          %run_scoped3A_23 = tpu.sem_alloc : memref<!tpu.dma_semaphore, #tpu.memory_space<semaphore_mem>>
          %dma_start3A = tpu.memref_slice %arg2[%run_scoped3A_22, %mul3A_21] : memref<2x320000xi32, #tpu.memory_space<hbm>> -> memref<1x128xi32, #tpu.memory_space<hbm>>
          %dma_start3A_24 = tpu.memref_squeeze %dma_start3A : memref<1x128xi32, #tpu.memory_space<hbm>> -> memref<128xi32, #tpu.memory_space<hbm>>
          %dma_start3A_25 = tpu.memref_slice %arg2[%run_scoped3A_22, %mul3A_21] : memref<2x320000xi32, #tpu.memory_space<hbm>> -> memref<1x128xi32, #tpu.memory_space<hbm>>
          %dma_start3A_26 = tpu.memref_squeeze %dma_start3A_25 : memref<1x128xi32, #tpu.memory_space<hbm>> -> memref<128xi32, #tpu.memory_space<hbm>>
          tpu.enqueue_dma source(%dma_start3A_26 : memref<128xi32, #tpu.memory_space<hbm>>) target(%arg7 : memref<128xi32, #tpu.memory_space<vmem>>) target_semaphore(%run_scoped3A_23 : memref<!tpu.dma_semaphore, #tpu.memory_space<semaphore_mem>>)
          %dma_wait3A = tpu.memref_slice %arg2[%run_scoped3A_22, %mul3A_21] : memref<2x320000xi32, #tpu.memory_space<hbm>> -> memref<1x128xi32, #tpu.memory_space<hbm>>
          %dma_wait3A_27 = tpu.memref_squeeze %dma_wait3A : memref<1x128xi32, #tpu.memory_space<hbm>> -> memref<128xi32, #tpu.memory_space<hbm>>
          %dma_wait3A_28 = tpu.memref_slice %arg2[%run_scoped3A_22, %mul3A_21] : memref<2x320000xi32, #tpu.memory_space<hbm>> -> memref<1x128xi32, #tpu.memory_space<hbm>>
          %dma_wait3A_29 = tpu.memref_squeeze %dma_wait3A_28 : memref<1x128xi32, #tpu.memory_space<hbm>> -> memref<128xi32, #tpu.memory_space<hbm>>
          tpu.wait_dma2 semaphore(%run_scoped3A_23 : memref<!tpu.dma_semaphore, #tpu.memory_space<semaphore_mem>>) src(%dma_wait3A_29 : memref<128xi32, #tpu.memory_space<hbm>>) dst(%arg7 : memref<128xi32, #tpu.memory_space<vmem>>)
          tpu.yield
        }) : () -> ()
        "tpu.region"() ({
          %run_scoped3A_23 = tpu.sem_alloc : memref<!tpu.dma_semaphore, #tpu.memory_space<semaphore_mem>>
          %dma_start3A = arith.constant 0 : i32
          %dma_start3A_24 = arith.constant 0 : i32
          %dma_start3A_25 = tpu.memref_slice %arg3[%dma_start3A, %dma_start3A_24] : memref<10000x128xf32, #tpu.memory_space<hbm>> -> memref<10000x128xf32, #tpu.memory_space<hbm>>
          tpu.enqueue_indirect_dma source(%dma_start3A_25 : memref<10000x128xf32, #tpu.memory_space<hbm>>) target(%arg8 : memref<128x128xf32, #tpu.memory_space<vmem>>) offsets(%arg6 : memref<128xi32, #tpu.memory_space<vmem>>) semaphore(%run_scoped3A_23 : memref<!tpu.dma_semaphore, #tpu.memory_space<semaphore_mem>>)
          %dma_wait3A = arith.constant 0 : i32
          %dma_wait3A_26 = arith.constant 0 : i32
          %dma_wait3A_27 = tpu.memref_slice %arg3[%dma_wait3A, %dma_wait3A_26] : memref<10000x128xf32, #tpu.memory_space<hbm>> -> memref<10000x128xf32, #tpu.memory_space<hbm>>
          tpu.wait_indirect_dma semaphore(%run_scoped3A_23 : memref<!tpu.dma_semaphore, #tpu.memory_space<semaphore_mem>>) src(%dma_wait3A_27 : memref<10000x128xf32, #tpu.memory_space<hbm>>) dst(%arg8 : memref<128x128xf32, #tpu.memory_space<vmem>>)
          tpu.yield
        }) : () -> ()
        "tpu.region"() ({
          %run_scoped3A_23 = tpu.sem_alloc : memref<!tpu.dma_semaphore, #tpu.memory_space<semaphore_mem>>
          %dma_start3A = arith.constant 0 : i32
          %dma_start3A_24 = arith.constant 0 : i32
          %dma_start3A_25 = tpu.memref_slice %arg9[%dma_start3A, %dma_start3A_24] : memref<10240x128xf32, #tpu.memory_space<vmem_shared>> -> memref<10240x128xf32, #tpu.memory_space<vmem_shared>>
          tpu.enqueue_indirect_dma source(%arg8 : memref<128x128xf32, #tpu.memory_space<vmem>>) target(%dma_start3A_25 : memref<10240x128xf32, #tpu.memory_space<vmem_shared>>) offsets(%arg7 : memref<128xi32, #tpu.memory_space<vmem>>) semaphore(%run_scoped3A_23 : memref<!tpu.dma_semaphore, #tpu.memory_space<semaphore_mem>>) {add = true}
          %dma_wait3A = arith.constant 0 : i32
          %dma_wait3A_26 = arith.constant 0 : i32
          %dma_wait3A_27 = tpu.memref_slice %arg9[%dma_wait3A, %dma_wait3A_26] : memref<10240x128xf32, #tpu.memory_space<vmem_shared>> -> memref<10240x128xf32, #tpu.memory_space<vmem_shared>>
          tpu.wait_indirect_dma semaphore(%run_scoped3A_23 : memref<!tpu.dma_semaphore, #tpu.memory_space<semaphore_mem>>) src(%arg8 : memref<128x128xf32, #tpu.memory_space<vmem>>) dst(%dma_wait3A_27 : memref<10240x128xf32, #tpu.memory_space<vmem_shared>>)
          tpu.yield
        }) : () -> ()
      } else {
      }
    }
    %scan3A_8 = arith.constant 79 : i32
    %barrier3A_9 = arith.constant 0 : index
    tpu.barrier barrier_id(%barrier3A_9)
    %mul3A_10 = arith.constant 640 : i32
    %mul3A_11 = arith.muli %arg1, %mul3A_10 : i32
    %mul3A_12 = arith.constant 640 : i32
    %mul3A_13 = arith.muli %arg1, %mul3A_12 : i32
    "tpu.region"() ({
      %run_scoped3A = tpu.sem_alloc : memref<!tpu.dma_semaphore, #tpu.memory_space<semaphore_mem>>
      %dma_start3A = arith.constant 0 : i32
      %dma_start3A_14 = tpu.memref_slice %arg5[%arg0, %mul3A_13, %dma_start3A] : memref<2x10240x128xf32, #tpu.memory_space<hbm>> -> memref<1x640x128xf32, #tpu.memory_space<hbm>>
      %dma_start3A_15 = tpu.memref_squeeze %dma_start3A_14 : memref<1x640x128xf32, #tpu.memory_space<hbm>> -> memref<640x128xf32, #tpu.memory_space<hbm>>
      %dma_start3A_16 = arith.constant 0 : i32
      %dma_start3A_17 = tpu.memref_slice %arg9[%mul3A_11, %dma_start3A_16] : memref<10240x128xf32, #tpu.memory_space<vmem_shared>> -> memref<640x128xf32, #tpu.memory_space<vmem_shared>>
      tpu.enqueue_dma source(%dma_start3A_17 : memref<640x128xf32, #tpu.memory_space<vmem_shared>>) target(%dma_start3A_15 : memref<640x128xf32, #tpu.memory_space<hbm>>) target_semaphore(%run_scoped3A : memref<!tpu.dma_semaphore, #tpu.memory_space<semaphore_mem>>)
      %dma_wait3A = arith.constant 0 : i32
      %dma_wait3A_18 = tpu.memref_slice %arg5[%arg0, %mul3A_13, %dma_wait3A] : memref<2x10240x128xf32, #tpu.memory_space<hbm>> -> memref<1x640x128xf32, #tpu.memory_space<hbm>>
      %dma_wait3A_19 = tpu.memref_squeeze %dma_wait3A_18 : memref<1x640x128xf32, #tpu.memory_space<hbm>> -> memref<640x128xf32, #tpu.memory_space<hbm>>
      %dma_wait3A_20 = arith.constant 0 : i32
      %dma_wait3A_21 = tpu.memref_slice %arg9[%mul3A_11, %dma_wait3A_20] : memref<10240x128xf32, #tpu.memory_space<vmem_shared>> -> memref<640x128xf32, #tpu.memory_space<vmem_shared>>
      tpu.wait_dma2 semaphore(%run_scoped3A : memref<!tpu.dma_semaphore, #tpu.memory_space<semaphore_mem>>) src(%dma_wait3A_21 : memref<640x128xf32, #tpu.memory_space<vmem_shared>>) dst(%dma_wait3A_19 : memref<640x128xf32, #tpu.memory_space<hbm>>)
      tpu.yield
    }) : () -> ()
    return
  }
}

module attributes {stable_mosaic.version = 14 : i64} {
  func.func @body(%arg0: i32, %arg1: memref<2x2000x128xf32, #tpu.memory_space<vmem>>, %arg2: memref<2x2000x128xf32, #tpu.memory_space<vmem>>, %arg3: memref<1x128xf32, #tpu.memory_space<vmem>>, %arg4: memref<128x128xf32, #tpu.memory_space<vmem>>, %arg5: memref<128x128xf32, #tpu.memory_space<vmem>>, %arg6: memref<2000x128xf32, #tpu.memory_space<vmem>>, %arg7: memref<2000x128xf32, #tpu.memory_space<vmem>>) attributes {dimension_semantics = [#tpu.dimension_semantics<arbitrary>], iteration_bounds = array<i64: 5>, scalar_prefetch = 0 : i64, scratch_operands = 0 : i64, tpu.core_type = #tpu.core_type<tc>, window_params = [{transform_indices = @transform_0, window_bounds = array<i64: 2, 2000, 128>}, {transform_indices = @transform_1, window_bounds = array<i64: 2, 2000, 128>}, {pipeline_mode = #tpu.pipeline_mode<synchronous>, transform_indices = @transform_2, window_bounds = array<i64: 1, 128>}, {pipeline_mode = #tpu.pipeline_mode<synchronous>, transform_indices = @transform_3, window_bounds = array<i64: 128, 128>}, {pipeline_mode = #tpu.pipeline_mode<synchronous>, transform_indices = @transform_4, window_bounds = array<i64: 128, 128>}, {transform_indices = @transform_5, window_bounds = array<i64: 2000, 128>}, {transform_indices = @transform_6, window_bounds = array<i64: 2000, 128>}]} {
    %get3A = arith.constant 0 : index
    %get3A_0 = arith.constant 0 : index
    %get3A_1 = arith.constant 0 : index
    %get3A_2 = vector.load %arg1[%get3A, %get3A_0, %get3A_1] : memref<2x2000x128xf32, #tpu.memory_space<vmem>>, vector<1x2000x1xf32>
    %get3A_3 = vector.shape_cast %get3A_2 : vector<1x2000x1xf32> to vector<2000xf32>
    %get3A_4 = arith.constant 1 : index
    %get3A_5 = arith.constant 0 : index
    %get3A_6 = arith.constant 0 : index
    %get3A_7 = vector.load %arg1[%get3A_4, %get3A_5, %get3A_6] : memref<2x2000x128xf32, #tpu.memory_space<vmem>>, vector<1x2000x1xf32>
    %get3A_8 = vector.shape_cast %get3A_7 : vector<1x2000x1xf32> to vector<2000xf32>
    %add3A = arith.addf %get3A_3, %get3A_8 : vector<2000xf32>
    %max3A = arith.constant 1.000000e+00 : f32
    %max3A_9 = vector.broadcast %max3A : f32 to vector<2000xf32>
    %max3A_10 = arith.maximumf %add3A, %max3A_9 : vector<2000xf32>
    %rsqrt3A = math.rsqrt %max3A_10 : vector<2000xf32>
    %broadcast_in_dim3A = vector.shape_cast %rsqrt3A : vector<2000xf32> to vector<2000x1xf32>
    %get3A_11 = arith.constant 0 : index
    %get3A_12 = arith.constant 0 : index
    %get3A_13 = arith.constant 0 : index
    %get3A_14 = vector.load %arg2[%get3A_11, %get3A_12, %get3A_13] : memref<2x2000x128xf32, #tpu.memory_space<vmem>>, vector<1x2000x128xf32>
    %get3A_15 = vector.shape_cast %get3A_14 : vector<1x2000x128xf32> to vector<2000x128xf32>
    %get3A_16 = arith.constant 1 : index
    %get3A_17 = arith.constant 0 : index
    %get3A_18 = arith.constant 0 : index
    %get3A_19 = vector.load %arg2[%get3A_16, %get3A_17, %get3A_18] : memref<2x2000x128xf32, #tpu.memory_space<vmem>>, vector<1x2000x128xf32>
    %get3A_20 = vector.shape_cast %get3A_19 : vector<1x2000x128xf32> to vector<2000x128xf32>
    %add3A_21 = arith.addf %get3A_15, %get3A_20 : vector<2000x128xf32>
    %mul3A = vector.broadcast %broadcast_in_dim3A : vector<2000x1xf32> to vector<2000x128xf32>
    %mul3A_22 = arith.mulf %add3A_21, %mul3A : vector<2000x128xf32>
    %get3A_23 = arith.constant 0 : index
    %get3A_24 = arith.constant 0 : index
    %get3A_25 = vector.load %arg3[%get3A_23, %get3A_24] : memref<1x128xf32, #tpu.memory_space<vmem>>, vector<1x128xf32>
    %add3A_26 = vector.broadcast %get3A_25 : vector<1x128xf32> to vector<2000x128xf32>
    %add3A_27 = arith.addf %mul3A_22, %add3A_26 : vector<2000x128xf32>
    %max3A_28 = arith.constant 0.000000e+00 : f32
    %max3A_29 = vector.broadcast %max3A_28 : f32 to vector<2000x128xf32>
    %max3A_30 = arith.maximumf %add3A_27, %max3A_29 : vector<2000x128xf32>
    %get3A_31 = arith.constant 0 : index
    %get3A_32 = arith.constant 0 : index
    %get3A_33 = vector.load %arg4[%get3A_31, %get3A_32] : memref<128x128xf32, #tpu.memory_space<vmem>>, vector<128x128xf32>
    %dot_general3A = arith.constant dense<0.000000e+00> : vector<2000x128xf32>
    %dot_general3A_34 = tpu.matmul %max3A_30, %get3A_33, %dot_general3A {dimension_numbers = #tpu.dot_dimension_numbers<[1], [0], [0], [1], [0, 0, 1, 1], [], []>, transpose_lhs_hint = false} : vector<2000x128xf32>, vector<128x128xf32>, vector<2000x128xf32> -> vector<2000x128xf32>
    %mul3A_35 = vector.broadcast %broadcast_in_dim3A : vector<2000x1xf32> to vector<2000x128xf32>
    %mul3A_36 = arith.mulf %dot_general3A_34, %mul3A_35 : vector<2000x128xf32>
    %get3A_37 = arith.constant 0 : index
    %get3A_38 = arith.constant 0 : index
    %get3A_39 = vector.load %arg5[%get3A_37, %get3A_38] : memref<128x128xf32, #tpu.memory_space<vmem>>, vector<128x128xf32>
    %dot_general3A_40 = arith.constant dense<0.000000e+00> : vector<2000x128xf32>
    %dot_general3A_41 = tpu.matmul %max3A_30, %get3A_39, %dot_general3A_40 {dimension_numbers = #tpu.dot_dimension_numbers<[1], [0], [0], [1], [0, 0, 1, 1], [], []>, transpose_lhs_hint = false} : vector<2000x128xf32>, vector<128x128xf32>, vector<2000x128xf32> -> vector<2000x128xf32>
    %mul3A_42 = vector.broadcast %broadcast_in_dim3A : vector<2000x1xf32> to vector<2000x128xf32>
    %mul3A_43 = arith.mulf %dot_general3A_41, %mul3A_42 : vector<2000x128xf32>
    %swap3A = arith.constant 0 : index
    %swap3A_44 = arith.constant 0 : index
    %swap3A_45 = vector.load %arg6[%swap3A, %swap3A_44] : memref<2000x128xf32, #tpu.memory_space<vmem>>, vector<2000x128xf32>
    tpu.vector_store %arg6[%swap3A, %swap3A_44], %mul3A_36 {strides = array<i32>} : memref<2000x128xf32, #tpu.memory_space<vmem>>, vector<2000x128xf32>,
    %swap3A_46 = arith.constant 0 : index
    %swap3A_47 = arith.constant 0 : index
    %swap3A_48 = vector.load %arg7[%swap3A_46, %swap3A_47] : memref<2000x128xf32, #tpu.memory_space<vmem>>, vector<2000x128xf32>
    tpu.vector_store %arg7[%swap3A_46, %swap3A_47], %mul3A_43 {strides = array<i32>} : memref<2000x128xf32, #tpu.memory_space<vmem>>, vector<2000x128xf32>,
    return
  }
  func.func @transform_0(%arg0: i32) -> (i32, i32, i32) {
    %c0_i32 = arith.constant 0 : i32
    %c0_i32_0 = arith.constant 0 : i32
    %c0_i32_1 = arith.constant 0 : i32
    return %c0_i32, %arg0, %c0_i32_0 : i32, i32, i32
  }
  func.func @transform_1(%arg0: i32) -> (i32, i32, i32) {
    %c0_i32 = arith.constant 0 : i32
    %c0_i32_0 = arith.constant 0 : i32
    %c0_i32_1 = arith.constant 0 : i32
    return %c0_i32, %arg0, %c0_i32_0 : i32, i32, i32
  }
  func.func @transform_2(%arg0: i32) -> (i32, i32) {
    %c0_i32 = arith.constant 0 : i32
    %c0_i32_0 = arith.constant 0 : i32
    %c0_i32_1 = arith.constant 0 : i32
    return %c0_i32, %c0_i32_0 : i32, i32
  }
  func.func @transform_3(%arg0: i32) -> (i32, i32) {
    %c0_i32 = arith.constant 0 : i32
    %c0_i32_0 = arith.constant 0 : i32
    %c0_i32_1 = arith.constant 0 : i32
    return %c0_i32, %c0_i32_0 : i32, i32
  }
  func.func @transform_4(%arg0: i32) -> (i32, i32) {
    %c0_i32 = arith.constant 0 : i32
    %c0_i32_0 = arith.constant 0 : i32
    %c0_i32_1 = arith.constant 0 : i32
    return %c0_i32, %c0_i32_0 : i32, i32
  }
  func.func @transform_5(%arg0: i32) -> (i32, i32) {
    %c0_i32 = arith.constant 0 : i32
    %c0_i32_0 = arith.constant 0 : i32
    return %arg0, %c0_i32 : i32, i32
  }
  func.func @transform_6(%arg0: i32) -> (i32, i32) {
    %c0_i32 = arith.constant 0 : i32
    %c0_i32_0 = arith.constant 0 : i32
    return %arg0, %c0_i32 : i32, i32
  }
}

module attributes {stable_mosaic.version = 14 : i64} {
  func.func @body(%arg0: i32, %arg1: memref<2x2000x128xf32, #tpu.memory_space<vmem>>, %arg2: memref<2000x128xf32, #tpu.memory_space<vmem>>, %arg3: memref<128x128xf32, #tpu.memory_space<vmem>>, %arg4: memref<2000x128xf32, #tpu.memory_space<vmem>>) attributes {dimension_semantics = [#tpu.dimension_semantics<arbitrary>], iteration_bounds = array<i64: 5>, scalar_prefetch = 0 : i64, scratch_operands = 0 : i64, tpu.core_type = #tpu.core_type<tc>, window_params = [{transform_indices = @transform_0, window_bounds = array<i64: 2, 2000, 128>}, {transform_indices = @transform_1, window_bounds = array<i64: 2000, 128>}, {pipeline_mode = #tpu.pipeline_mode<synchronous>, transform_indices = @transform_2, window_bounds = array<i64: 128, 128>}, {transform_indices = @transform_3, window_bounds = array<i64: 2000, 128>}]} {
    %get3A = arith.constant 0 : index
    %get3A_0 = arith.constant 0 : index
    %get3A_1 = arith.constant 0 : index
    %get3A_2 = vector.load %arg1[%get3A, %get3A_0, %get3A_1] : memref<2x2000x128xf32, #tpu.memory_space<vmem>>, vector<1x2000x1xf32>
    %get3A_3 = vector.shape_cast %get3A_2 : vector<1x2000x1xf32> to vector<2000xf32>
    %get3A_4 = arith.constant 1 : index
    %get3A_5 = arith.constant 0 : index
    %get3A_6 = arith.constant 0 : index
    %get3A_7 = vector.load %arg1[%get3A_4, %get3A_5, %get3A_6] : memref<2x2000x128xf32, #tpu.memory_space<vmem>>, vector<1x2000x1xf32>
    %get3A_8 = vector.shape_cast %get3A_7 : vector<1x2000x1xf32> to vector<2000xf32>
    %add3A = arith.addf %get3A_3, %get3A_8 : vector<2000xf32>
    %max3A = arith.constant 1.000000e+00 : f32
    %max3A_9 = vector.broadcast %max3A : f32 to vector<2000xf32>
    %max3A_10 = arith.maximumf %add3A, %max3A_9 : vector<2000xf32>
    %rsqrt3A = math.rsqrt %max3A_10 : vector<2000xf32>
    %broadcast_in_dim3A = vector.shape_cast %rsqrt3A : vector<2000xf32> to vector<2000x1xf32>
    %get3A_11 = arith.constant 0 : index
    %get3A_12 = arith.constant 0 : index
    %get3A_13 = vector.load %arg2[%get3A_11, %get3A_12] : memref<2000x128xf32, #tpu.memory_space<vmem>>, vector<2000x128xf32>
    %get3A_14 = arith.constant 0 : index
    %get3A_15 = arith.constant 0 : index
    %get3A_16 = vector.load %arg3[%get3A_14, %get3A_15] : memref<128x128xf32, #tpu.memory_space<vmem>>, vector<128x128xf32>
    %dot_general3A = arith.constant dense<0.000000e+00> : vector<2000x128xf32>
    %dot_general3A_17 = tpu.matmul %get3A_13, %get3A_16, %dot_general3A {dimension_numbers = #tpu.dot_dimension_numbers<[1], [0], [0], [1], [0, 0, 1, 1], [], []>, transpose_lhs_hint = false} : vector<2000x128xf32>, vector<128x128xf32>, vector<2000x128xf32> -> vector<2000x128xf32>
    %mul3A = vector.broadcast %broadcast_in_dim3A : vector<2000x1xf32> to vector<2000x128xf32>
    %mul3A_18 = arith.mulf %dot_general3A_17, %mul3A : vector<2000x128xf32>
    %swap3A = arith.constant 0 : index
    %swap3A_19 = arith.constant 0 : index
    %swap3A_20 = vector.load %arg4[%swap3A, %swap3A_19] : memref<2000x128xf32, #tpu.memory_space<vmem>>, vector<2000x128xf32>
    tpu.vector_store %arg4[%swap3A, %swap3A_19], %mul3A_18 {strides = array<i32>} : memref<2000x128xf32, #tpu.memory_space<vmem>>, vector<2000x128xf32>,
    return
  }
  func.func @transform_0(%arg0: i32) -> (i32, i32, i32) {
    %c0_i32 = arith.constant 0 : i32
    %c0_i32_0 = arith.constant 0 : i32
    %c0_i32_1 = arith.constant 0 : i32
    return %c0_i32, %arg0, %c0_i32_0 : i32, i32, i32
  }
  func.func @transform_1(%arg0: i32) -> (i32, i32) {
    %c0_i32 = arith.constant 0 : i32
    %c0_i32_0 = arith.constant 0 : i32
    return %arg0, %c0_i32 : i32, i32
  }
  func.func @transform_2(%arg0: i32) -> (i32, i32) {
    %c0_i32 = arith.constant 0 : i32
    %c0_i32_0 = arith.constant 0 : i32
    %c0_i32_1 = arith.constant 0 : i32
    return %c0_i32, %c0_i32_0 : i32, i32
  }
  func.func @transform_3(%arg0: i32) -> (i32, i32) {
    %c0_i32 = arith.constant 0 : i32
    %c0_i32_0 = arith.constant 0 : i32
    return %arg0, %c0_i32 : i32, i32
  }
}

module attributes {stable_mosaic.version = 14 : i64} {
  func.func @body(%arg0: i32, %arg1: memref<2x2000x128xf32, #tpu.memory_space<vmem>>, %arg2: memref<2x2000x128xf32, #tpu.memory_space<vmem>>, %arg3: memref<1x128xf32, #tpu.memory_space<vmem>>, %arg4: memref<128x128xf32, #tpu.memory_space<vmem>>, %arg5: memref<1x128xf32, #tpu.memory_space<vmem>>, %arg6: memref<2000x128xf32, #tpu.memory_space<vmem>>) attributes {dimension_semantics = [#tpu.dimension_semantics<arbitrary>], iteration_bounds = array<i64: 5>, scalar_prefetch = 0 : i64, scratch_operands = 0 : i64, tpu.core_type = #tpu.core_type<tc>, window_params = [{transform_indices = @transform_0, window_bounds = array<i64: 2, 2000, 128>}, {transform_indices = @transform_1, window_bounds = array<i64: 2, 2000, 128>}, {pipeline_mode = #tpu.pipeline_mode<synchronous>, transform_indices = @transform_2, window_bounds = array<i64: 1, 128>}, {pipeline_mode = #tpu.pipeline_mode<synchronous>, transform_indices = @transform_3, window_bounds = array<i64: 128, 128>}, {pipeline_mode = #tpu.pipeline_mode<synchronous>, transform_indices = @transform_4, window_bounds = array<i64: 1, 128>}, {transform_indices = @transform_5, window_bounds = array<i64: 2000, 128>}]} {
    %get3A = arith.constant 0 : index
    %get3A_0 = arith.constant 0 : index
    %get3A_1 = arith.constant 0 : index
    %get3A_2 = vector.load %arg1[%get3A, %get3A_0, %get3A_1] : memref<2x2000x128xf32, #tpu.memory_space<vmem>>, vector<1x2000x1xf32>
    %get3A_3 = vector.shape_cast %get3A_2 : vector<1x2000x1xf32> to vector<2000xf32>
    %get3A_4 = arith.constant 1 : index
    %get3A_5 = arith.constant 0 : index
    %get3A_6 = arith.constant 0 : index
    %get3A_7 = vector.load %arg1[%get3A_4, %get3A_5, %get3A_6] : memref<2x2000x128xf32, #tpu.memory_space<vmem>>, vector<1x2000x1xf32>
    %get3A_8 = vector.shape_cast %get3A_7 : vector<1x2000x1xf32> to vector<2000xf32>
    %add3A = arith.addf %get3A_3, %get3A_8 : vector<2000xf32>
    %max3A = arith.constant 1.000000e+00 : f32
    %max3A_9 = vector.broadcast %max3A : f32 to vector<2000xf32>
    %max3A_10 = arith.maximumf %add3A, %max3A_9 : vector<2000xf32>
    %rsqrt3A = math.rsqrt %max3A_10 : vector<2000xf32>
    %broadcast_in_dim3A = vector.shape_cast %rsqrt3A : vector<2000xf32> to vector<2000x1xf32>
    %get3A_11 = arith.constant 0 : index
    %get3A_12 = arith.constant 0 : index
    %get3A_13 = arith.constant 0 : index
    %get3A_14 = vector.load %arg2[%get3A_11, %get3A_12, %get3A_13] : memref<2x2000x128xf32, #tpu.memory_space<vmem>>, vector<1x2000x128xf32>
    %get3A_15 = vector.shape_cast %get3A_14 : vector<1x2000x128xf32> to vector<2000x128xf32>
    %get3A_16 = arith.constant 1 : index
    %get3A_17 = arith.constant 0 : index
    %get3A_18 = arith.constant 0 : index
    %get3A_19 = vector.load %arg2[%get3A_16, %get3A_17, %get3A_18] : memref<2x2000x128xf32, #tpu.memory_space<vmem>>, vector<1x2000x128xf32>
    %get3A_20 = vector.shape_cast %get3A_19 : vector<1x2000x128xf32> to vector<2000x128xf32>
    %add3A_21 = arith.addf %get3A_15, %get3A_20 : vector<2000x128xf32>
    %mul3A = vector.broadcast %broadcast_in_dim3A : vector<2000x1xf32> to vector<2000x128xf32>
    %mul3A_22 = arith.mulf %add3A_21, %mul3A : vector<2000x128xf32>
    %get3A_23 = arith.constant 0 : index
    %get3A_24 = arith.constant 0 : index
    %get3A_25 = vector.load %arg3[%get3A_23, %get3A_24] : memref<1x128xf32, #tpu.memory_space<vmem>>, vector<1x128xf32>
    %add3A_26 = vector.broadcast %get3A_25 : vector<1x128xf32> to vector<2000x128xf32>
    %add3A_27 = arith.addf %mul3A_22, %add3A_26 : vector<2000x128xf32>
    %max3A_28 = arith.constant 0.000000e+00 : f32
    %max3A_29 = vector.broadcast %max3A_28 : f32 to vector<2000x128xf32>
    %max3A_30 = arith.maximumf %add3A_27, %max3A_29 : vector<2000x128xf32>
    %get3A_31 = arith.constant 0 : index
    %get3A_32 = arith.constant 0 : index
    %get3A_33 = vector.load %arg4[%get3A_31, %get3A_32] : memref<128x128xf32, #tpu.memory_space<vmem>>, vector<128x128xf32>
    %dot_general3A = arith.constant dense<0.000000e+00> : vector<2000x128xf32>
    %dot_general3A_34 = tpu.matmul %max3A_30, %get3A_33, %dot_general3A {dimension_numbers = #tpu.dot_dimension_numbers<[1], [0], [0], [1], [0, 0, 1, 1], [], []>, transpose_lhs_hint = false} : vector<2000x128xf32>, vector<128x128xf32>, vector<2000x128xf32> -> vector<2000x128xf32>
    %get3A_35 = arith.constant 0 : index
    %get3A_36 = arith.constant 0 : index
    %get3A_37 = vector.load %arg5[%get3A_35, %get3A_36] : memref<1x128xf32, #tpu.memory_space<vmem>>, vector<1x128xf32>
    %add3A_38 = vector.broadcast %get3A_37 : vector<1x128xf32> to vector<2000x128xf32>
    %add3A_39 = arith.addf %dot_general3A_34, %add3A_38 : vector<2000x128xf32>
    %swap3A = arith.constant 0 : index
    %swap3A_40 = arith.constant 0 : index
    %swap3A_41 = vector.load %arg6[%swap3A, %swap3A_40] : memref<2000x128xf32, #tpu.memory_space<vmem>>, vector<2000x128xf32>
    tpu.vector_store %arg6[%swap3A, %swap3A_40], %add3A_39 {strides = array<i32>} : memref<2000x128xf32, #tpu.memory_space<vmem>>, vector<2000x128xf32>,
    return
  }
  func.func @transform_0(%arg0: i32) -> (i32, i32, i32) {
    %c0_i32 = arith.constant 0 : i32
    %c0_i32_0 = arith.constant 0 : i32
    %c0_i32_1 = arith.constant 0 : i32
    return %c0_i32, %arg0, %c0_i32_0 : i32, i32, i32
  }
  func.func @transform_1(%arg0: i32) -> (i32, i32, i32) {
    %c0_i32 = arith.constant 0 : i32
    %c0_i32_0 = arith.constant 0 : i32
    %c0_i32_1 = arith.constant 0 : i32
    return %c0_i32, %arg0, %c0_i32_0 : i32, i32, i32
  }
  func.func @transform_2(%arg0: i32) -> (i32, i32) {
    %c0_i32 = arith.constant 0 : i32
    %c0_i32_0 = arith.constant 0 : i32
    %c0_i32_1 = arith.constant 0 : i32
    return %c0_i32, %c0_i32_0 : i32, i32
  }
  func.func @transform_3(%arg0: i32) -> (i32, i32) {
    %c0_i32 = arith.constant 0 : i32
    %c0_i32_0 = arith.constant 0 : i32
    %c0_i32_1 = arith.constant 0 : i32
    return %c0_i32, %c0_i32_0 : i32, i32
  }
  func.func @transform_4(%arg0: i32) -> (i32, i32) {
    %c0_i32 = arith.constant 0 : i32
    %c0_i32_0 = arith.constant 0 : i32
    %c0_i32_1 = arith.constant 0 : i32
    return %c0_i32, %c0_i32_0 : i32, i32
  }
  func.func @transform_5(%arg0: i32) -> (i32, i32) {
    %c0_i32 = arith.constant 0 : i32
    %c0_i32_0 = arith.constant 0 : i32
    return %arg0, %c0_i32 : i32, i32
  }
}

module attributes {stable_mosaic.version = 14 : i64} {
  func.func @body(%arg0: i32, %arg1: memref<2x2000x128xf32, #tpu.memory_space<vmem>>, %arg2: memref<2x2000x128xf32, #tpu.memory_space<vmem>>, %arg3: memref<2x2000x128xf32, #tpu.memory_space<vmem>>, %arg4: memref<1x128xf32, #tpu.memory_space<vmem>>, %arg5: memref<1x128xf32, #tpu.memory_space<vmem>>, %arg6: memref<2000x128xf32, #tpu.memory_space<vmem>>, %arg7: memref<128x128xf32, #tpu.memory_space<vmem>>, %arg8: memref<2000x128xf32, #tpu.memory_space<vmem>>) attributes {dimension_semantics = [#tpu.dimension_semantics<arbitrary>], iteration_bounds = array<i64: 5>, scalar_prefetch = 0 : i64, scratch_operands = 0 : i64, tpu.core_type = #tpu.core_type<tc>, window_params = [{transform_indices = @transform_0, window_bounds = array<i64: 2, 2000, 128>}, {transform_indices = @transform_1, window_bounds = array<i64: 2, 2000, 128>}, {transform_indices = @transform_2, window_bounds = array<i64: 2, 2000, 128>}, {pipeline_mode = #tpu.pipeline_mode<synchronous>, transform_indices = @transform_3, window_bounds = array<i64: 1, 128>}, {pipeline_mode = #tpu.pipeline_mode<synchronous>, transform_indices = @transform_4, window_bounds = array<i64: 1, 128>}, {transform_indices = @transform_5, window_bounds = array<i64: 2000, 128>}, {pipeline_mode = #tpu.pipeline_mode<synchronous>, transform_indices = @transform_6, window_bounds = array<i64: 128, 128>}, {transform_indices = @transform_7, window_bounds = array<i64: 2000, 128>}]} {
    %get3A = arith.constant 0 : index
    %get3A_0 = arith.constant 0 : index
    %get3A_1 = arith.constant 0 : index
    %get3A_2 = vector.load %arg1[%get3A, %get3A_0, %get3A_1] : memref<2x2000x128xf32, #tpu.memory_space<vmem>>, vector<1x2000x1xf32>
    %get3A_3 = vector.shape_cast %get3A_2 : vector<1x2000x1xf32> to vector<2000xf32>
    %get3A_4 = arith.constant 1 : index
    %get3A_5 = arith.constant 0 : index
    %get3A_6 = arith.constant 0 : index
    %get3A_7 = vector.load %arg1[%get3A_4, %get3A_5, %get3A_6] : memref<2x2000x128xf32, #tpu.memory_space<vmem>>, vector<1x2000x1xf32>
    %get3A_8 = vector.shape_cast %get3A_7 : vector<1x2000x1xf32> to vector<2000xf32>
    %add3A = arith.addf %get3A_3, %get3A_8 : vector<2000xf32>
    %max3A = arith.constant 1.000000e+00 : f32
    %max3A_9 = vector.broadcast %max3A : f32 to vector<2000xf32>
    %max3A_10 = arith.maximumf %add3A, %max3A_9 : vector<2000xf32>
    %rsqrt3A = math.rsqrt %max3A_10 : vector<2000xf32>
    %broadcast_in_dim3A = vector.shape_cast %rsqrt3A : vector<2000xf32> to vector<2000x1xf32>
    %get3A_11 = arith.constant 0 : index
    %get3A_12 = arith.constant 0 : index
    %get3A_13 = arith.constant 0 : index
    %get3A_14 = vector.load %arg2[%get3A_11, %get3A_12, %get3A_13] : memref<2x2000x128xf32, #tpu.memory_space<vmem>>, vector<1x2000x128xf32>
    %get3A_15 = vector.shape_cast %get3A_14 : vector<1x2000x128xf32> to vector<2000x128xf32>
    %get3A_16 = arith.constant 1 : index
    %get3A_17 = arith.constant 0 : index
    %get3A_18 = arith.constant 0 : index
    %get3A_19 = vector.load %arg2[%get3A_16, %get3A_17, %get3A_18] : memref<2x2000x128xf32, #tpu.memory_space<vmem>>, vector<1x2000x128xf32>
    %get3A_20 = vector.shape_cast %get3A_19 : vector<1x2000x128xf32> to vector<2000x128xf32>
    %add3A_21 = arith.addf %get3A_15, %get3A_20 : vector<2000x128xf32>
    %mul3A = vector.broadcast %broadcast_in_dim3A : vector<2000x1xf32> to vector<2000x128xf32>
    %mul3A_22 = arith.mulf %add3A_21, %mul3A : vector<2000x128xf32>
    %get3A_23 = arith.constant 0 : index
    %get3A_24 = arith.constant 0 : index
    %get3A_25 = vector.load %arg4[%get3A_23, %get3A_24] : memref<1x128xf32, #tpu.memory_space<vmem>>, vector<1x128xf32>
    %add3A_26 = vector.broadcast %get3A_25 : vector<1x128xf32> to vector<2000x128xf32>
    %add3A_27 = arith.addf %mul3A_22, %add3A_26 : vector<2000x128xf32>
    %get3A_28 = arith.constant 0 : index
    %get3A_29 = arith.constant 0 : index
    %get3A_30 = arith.constant 0 : index
    %get3A_31 = vector.load %arg3[%get3A_28, %get3A_29, %get3A_30] : memref<2x2000x128xf32, #tpu.memory_space<vmem>>, vector<1x2000x128xf32>
    %get3A_32 = vector.shape_cast %get3A_31 : vector<1x2000x128xf32> to vector<2000x128xf32>
    %get3A_33 = arith.constant 1 : index
    %get3A_34 = arith.constant 0 : index
    %get3A_35 = arith.constant 0 : index
    %get3A_36 = vector.load %arg3[%get3A_33, %get3A_34, %get3A_35] : memref<2x2000x128xf32, #tpu.memory_space<vmem>>, vector<1x2000x128xf32>
    %get3A_37 = vector.shape_cast %get3A_36 : vector<1x2000x128xf32> to vector<2000x128xf32>
    %add3A_38 = arith.addf %get3A_32, %get3A_37 : vector<2000x128xf32>
    %mul3A_39 = vector.broadcast %broadcast_in_dim3A : vector<2000x1xf32> to vector<2000x128xf32>
    %mul3A_40 = arith.mulf %add3A_38, %mul3A_39 : vector<2000x128xf32>
    %get3A_41 = arith.constant 0 : index
    %get3A_42 = arith.constant 0 : index
    %get3A_43 = vector.load %arg5[%get3A_41, %get3A_42] : memref<1x128xf32, #tpu.memory_space<vmem>>, vector<1x128xf32>
    %add3A_44 = vector.broadcast %get3A_43 : vector<1x128xf32> to vector<2000x128xf32>
    %add3A_45 = arith.addf %mul3A_40, %add3A_44 : vector<2000x128xf32>
    %get3A_46 = arith.constant 0 : index
    %get3A_47 = arith.constant 0 : index
    %get3A_48 = vector.load %arg6[%get3A_46, %get3A_47] : memref<2000x128xf32, #tpu.memory_space<vmem>>, vector<2000x128xf32>
    %exp3A = math.exp %add3A_45 : vector<2000x128xf32>
    %mul3A_49 = arith.mulf %get3A_48, %exp3A : vector<2000x128xf32>
    %add3A_50 = arith.addf %mul3A_49, %add3A_27 : vector<2000x128xf32>
    %get3A_51 = arith.constant 0 : index
    %get3A_52 = arith.constant 0 : index
    %get3A_53 = vector.load %arg7[%get3A_51, %get3A_52] : memref<128x128xf32, #tpu.memory_space<vmem>>, vector<128x128xf32>
    %dot_general3A = arith.constant dense<0.000000e+00> : vector<2000x128xf32>
    %dot_general3A_54 = tpu.matmul %add3A_50, %get3A_53, %dot_general3A {dimension_numbers = #tpu.dot_dimension_numbers<[1], [0], [0], [1], [0, 0, 1, 1], [], []>, transpose_lhs_hint = false} : vector<2000x128xf32>, vector<128x128xf32>, vector<2000x128xf32> -> vector<2000x128xf32>
    %mul3A_55 = vector.broadcast %broadcast_in_dim3A : vector<2000x1xf32> to vector<2000x128xf32>
    %mul3A_56 = arith.mulf %dot_general3A_54, %mul3A_55 : vector<2000x128xf32>
    %swap3A = arith.constant 0 : index
    %swap3A_57 = arith.constant 0 : index
    %swap3A_58 = vector.load %arg8[%swap3A, %swap3A_57] : memref<2000x128xf32, #tpu.memory_space<vmem>>, vector<2000x128xf32>
    tpu.vector_store %arg8[%swap3A, %swap3A_57], %mul3A_56 {strides = array<i32>} : memref<2000x128xf32, #tpu.memory_space<vmem>>, vector<2000x128xf32>,
    return
  }
  func.func @transform_0(%arg0: i32) -> (i32, i32, i32) {
    %c0_i32 = arith.constant 0 : i32
    %c0_i32_0 = arith.constant 0 : i32
    %c0_i32_1 = arith.constant 0 : i32
    return %c0_i32, %arg0, %c0_i32_0 : i32, i32, i32
  }
  func.func @transform_1(%arg0: i32) -> (i32, i32, i32) {
    %c0_i32 = arith.constant 0 : i32
    %c0_i32_0 = arith.constant 0 : i32
    %c0_i32_1 = arith.constant 0 : i32
    return %c0_i32, %arg0, %c0_i32_0 : i32, i32, i32
  }
  func.func @transform_2(%arg0: i32) -> (i32, i32, i32) {
    %c0_i32 = arith.constant 0 : i32
    %c0_i32_0 = arith.constant 0 : i32
    %c0_i32_1 = arith.constant 0 : i32
    return %c0_i32, %arg0, %c0_i32_0 : i32, i32, i32
  }
  func.func @transform_3(%arg0: i32) -> (i32, i32) {
    %c0_i32 = arith.constant 0 : i32
    %c0_i32_0 = arith.constant 0 : i32
    %c0_i32_1 = arith.constant 0 : i32
    return %c0_i32, %c0_i32_0 : i32, i32
  }
  func.func @transform_4(%arg0: i32) -> (i32, i32) {
    %c0_i32 = arith.constant 0 : i32
    %c0_i32_0 = arith.constant 0 : i32
    %c0_i32_1 = arith.constant 0 : i32
    return %c0_i32, %c0_i32_0 : i32, i32
  }
  func.func @transform_5(%arg0: i32) -> (i32, i32) {
    %c0_i32 = arith.constant 0 : i32
    %c0_i32_0 = arith.constant 0 : i32
    return %arg0, %c0_i32 : i32, i32
  }
  func.func @transform_6(%arg0: i32) -> (i32, i32) {
    %c0_i32 = arith.constant 0 : i32
    %c0_i32_0 = arith.constant 0 : i32
    %c0_i32_1 = arith.constant 0 : i32
    return %c0_i32, %c0_i32_0 : i32, i32
  }
  func.func @transform_7(%arg0: i32) -> (i32, i32) {
    %c0_i32 = arith.constant 0 : i32
    %c0_i32_0 = arith.constant 0 : i32
    return %arg0, %c0_i32 : i32, i32
  }
}

</mosaic_0001>

<sc_bundles>
// kernel: kernel.11.cloned.1.call-start
scs
__scs_entry_jumppad:
0x0: {  	(pc) =	sbr.rel $0x88, $3  }
0x1: {  	(tag) =	ssettag $0x0;
	lr =	simm.s32 $0x1  }
0x2: {  	[smem:$0x3F94] =	sst lr;
	_ =	strace $0xD0000000  }
0x3: {  	_ = 	snop  }
0x4: {  	_ = 	snop  }
0x5: {  	_ = 	snop  }
0x6: {  	_ = 	snop  }
0x7: {  	_ = 	snop  }
__scs_overlays_trampoline_lowered:
0x8: {  	[smem:$0x3FA3] =	sst s0  }
0x9: {  	[smem:$0x3FA4] =	sst s1  }
0xa: {  	[smem:$0x3FA5] =	sst s2  }
0xb: {  	[smem:$0x3FA6] =	sst s3  }
0xc: {  	[smem:$0x3FA7] =	sst s4  }
0xd: {  	[smem:$0x3FA8] =	sst s5  }
0xe: {  	[smem:$0x3FA9] =	sst s6  }
0xf: {  	[smem:$0x3FAA] =	sst s7  }
0x10: {  	[smem:$0x3FAB] =	sst s8  }
0x11: {  	[smem:$0x3FAC] =	sst s9;
	s0 =	simm.s32 @!p0 $0x0  }
0x12: {  	s1 =	sld [smem:$0x3F92];
	s0 =	simm.s32 @p0 $0x1  }
0x13: {  	[smem:$0x3FAD] =	sst s0;
	s0 =	simm.s32 @!p1 $0x0  }
0x14: {  	s2 =	sld [smem:$0x3F91];
	s0 =	simm.s32 @p1 $0x1  }
0x15: {  	[smem:$0x3FAE] =	sst s0;
	s0 =	simm.s32 @!p2 $0x0  }
0x16: {  	s3 =	sld [smem:$0x3FDB];
	s0 =	simm.s32 @p2 $0x1  }
0x17: {  	s4 =	simm.s32 $0x1BF5;
	[smem:$0x3FB0] =	sst s0  }
0x18: {  	s0 =	sld [smem:$0x3F93];
	_ =	swait.ge [sflag:s4], $0x0  }
0x19: {  	s7 =	sld [smem:$0x3F94]  }
0x1a: {  	s8 =	sadd.s32 $0xFFFFE003, lr  }
0x1b: {  	s9 =	sadd.s32 $0xFFFFFEF7, lr;
	s5 =	simm.s32 $0xFFFFFFFF;
	p2 =	slt.u32 s8, $0xFFFFF086  }
0x1c: {  	p1 =	slt.u32 s9, $0xF7A;
	s5 =	simm.s32 @!p2 $0x0  }
0x1d: {  	s5 =	simm.s32 @p1 $0x1;
	p0 =	seq.s32 s7, s2  }
0x1e: {  	s7 =	smul.u32 @!p0 $0xF7A, s2;
	p2 =	seq.s32 @!p0 s5, $0x0  }
0x1f: {  	s9 =	smul.u32 $0xF7A, s1;
	s8 =	simm.s32 @!p0 $0x1BF5;
	p2 =	por !p2, p0  }
0x20: {  	[sflag:s8] =	ssyncset.s32 @!p0 $0xFFFFF086;
	s6 =	sadd.s32 @!p0 s3, s7;
	s7 =	simm.s32 @!p0 $0x108  }
0x21: {  	s3 =	sadd.s32 s3, s9;
	s6 =	sadd.s32 @!p0 $0x88, s6;
	s7 =	simm.s32 @p2 $0x1082  }
0x22: {  	[simem:s7], [sflag:s8] =	dma.local @!p0 [hbm:s6], $0xF7A  }
0x23: {  	s9 =	sor.u32 $0xD0000000, s2;
	s6 =	simm.s32 $0x108;
	_ =	swait.ge @!p0 [sflag:s8], $0x0  }
0x24: {  	s3 =	sadd.s32 $0x88, s3;
	s6 =	simm.s32 @!p1 $0x1082;
	[sflag:s4] =	ssyncset.s32 $0xFFFFF086  }
0x25: {  	[simem:s6], [sflag:s4] =	dma.local [hbm:s3], $0xF7A  }
0x26: {  	[smem:$0x3F94] =	sst s1;
	(tag) =	ssettag s2;
	_ =	strace s9  }
0x27: {  	s1 =	sld [smem:$0x3FA4]  }
0x28: {  	s2 =	sld [smem:$0x3FA5]  }
0x29: {  	s4 =	sld [smem:$0x3FA7]  }
0x2a: {  	p0 =	seq.s32 s5, $0x0;
	s5 =	sld [smem:$0x3FA8]  }
0x2b: {  	s6 =	sld [smem:$0x3FA9]  }
0x2c: {  	s7 =	sld [smem:$0x3FAA]  }
0x2d: {  	s3 =	simm.s32 $0x108;
	s8 =	sld [smem:$0x3FAB]  }
0x2e: {  	s3 =	simm.s32 @!p0 $0x1082;
	s9 =	sld [smem:$0x3FAC]  }
0x2f: {  	lr =	sadd.s32 s0, s3;
	s0 =	sld [smem:$0x3FA3]  }
0x30: {  	s3 =	sld [smem:$0x3FA6]  }
0x31: {  	[smem:$0x3FAF] =	sst s10  }
0x32: {  	s10 =	sld [smem:$0x3FAD];
	_ =	sdelay $0x3  }
0x33: {  	p0 =	seq.s32 s10, $0x1;
	s10 =	sld [smem:$0x3FAF];
	_ =	sdelay $0x3  }
0x34: {  	[smem:$0x3FAF] =	sst s10  }
0x35: {  	s10 =	sld [smem:$0x3FAE];
	_ =	sdelay $0x3  }
0x36: {  	p1 =	seq.s32 s10, $0x1;
	s10 =	sld [smem:$0x3FAF];
	_ =	sdelay $0x3  }
0x37: {  	[smem:$0x3FAF] =	sst s10  }
0x38: {  	s10 =	sld [smem:$0x3FB0]  }
0x39: {  	_ = 	snop;
	(pc) =	sbr.ind lr, $3  }
0x3a: {  	_ = 	snop  }
0x3b: {  	_ = 	snop  }
0x3c: {  	p2 =	seq.s32 s10, $0x1;
	s10 =	sld [smem:$0x3FAF]  }
0x3d: {  	_ =	shalt  }
0x3e: {  	_ =	shalt  }
0x3f: {  	_ =	shalt  }
0x40: {  	_ =	shalt  }
0x41: {  	_ =	shalt  }
0x42: {  	_ =	shalt  }
0x43: {  	_ =	shalt  }
0x44: {  	_ =	shalt  }
0x45: {  	_ =	shalt  }
0x46: {  	_ =	shalt  }
0x47: {  	_ =	shalt  }
0x48: {  	_ =	shalt  }
0x49: {  	_ =	shalt  }
0x4a: {  	_ =	shalt  }
0x4b: {  	_ =	shalt  }
0x4c: {  	_ =	shalt  }
0x4d: {  	_ =	shalt  }
0x4e: {  	_ =	shalt  }
0x4f: {  	_ =	shalt  }
0x50: {  	_ =	shalt  }
0x51: {  	_ =	shalt  }
0x52: {  	_ =	shalt  }
0x53: {  	_ =	shalt  }
0x54: {  	_ =	shalt  }
0x55: {  	_ =	shalt  }
0x56: {  	_ =	shalt  }
0x57: {  	_ =	shalt  }
0x58: {  	_ =	shalt  }
0x59: {  	_ =	shalt  }
0x5a: {  	_ =	shalt  }
0x5b: {  	_ =	shalt  }
0x5c: {  	_ =	shalt  }
0x5d: {  	_ =	shalt  }
0x5e: {  	_ =	shalt  }
0x5f: {  	_ =	shalt  }
0x60: {  	_ =	shalt  }
0x61: {  	_ =	shalt  }
0x62: {  	_ =	shalt  }
0x63: {  	_ =	shalt  }
0x64: {  	_ =	shalt  }
0x65: {  	_ =	shalt  }
0x66: {  	_ =	shalt  }
0x67: {  	_ =	shalt  }
0x68: {  	_ =	shalt  }
0x69: {  	_ =	shalt  }
0x6a: {  	_ =	shalt  }
0x6b: {  	_ =	shalt  }
0x6c: {  	_ =	shalt  }
0x6d: {  	_ =	shalt  }
0x6e: {  	_ =	shalt  }
0x6f: {  	_ =	shalt  }
0x70: {  	_ =	shalt  }
0x71: {  	_ =	shalt  }
0x72: {  	_ =	shalt  }
0x73: {  	_ =	shalt  }
0x74: {  	_ =	shalt  }
0x75: {  	_ =	shalt  }
0x76: {  	_ =	shalt  }
0x77: {  	_ =	shalt  }
0x78: {  	_ =	shalt  }
0x79: {  	_ =	shalt  }
0x7a: {  	_ =	shalt  }
0x7b: {  	_ =	shalt  }
0x7c: {  	_ =	shalt  }
0x7d: {  	_ =	shalt  }
0x7e: {  	_ =	shalt  }
0x7f: {  	_ =	shalt  }
0x80: {  	_ =	shalt  }
0x81: {  	_ =	shalt  }
0x82: {  	_ =	shalt  }
0x83: {  	_ =	shalt  }
0x84: {  	_ =	shalt  }
0x85: {  	_ =	shalt  }
0x86: {  	_ =	shalt  }
0x87: {  	_ =	shalt  }
.Lfunc_end0:
.L_simem_size_0:
called_computation_lowered:
.L_overlay_start_0:
0x88: {  	s2 =	sld [smem:$0x3FD9]  }
0x89: {  	s3 =	sld [smem:$0x3FFE];
	_ =	sdelay $0x1  }
0x8a: {  	s1 =	srdreg.scid  }
0x8b: {  	s0 =	sand.u32 $0x1, s1  }
0x8c: {  	s17 =	sshll.u32 s0, $0xA;
	s2 =	sadd.s32 s3, s2  }
0x8d: {  	s2 =	sadd.s32 s2, s17  }
0x8e: {  	[smem:$0x3FBB] =	sst s2  }
0x8f: {  	_ = 	snop  }
0x90: {  	s2 =	sld [smem:$0x3FC8]  }
0x91: {  	s18 =	sld [smem:$0x3FD0];
	(tm) =	ssettm $0x1  }
0x92: {  	s4 =	sld [smem:$0x3FFB];
	_ =	sdelay $0x3  }
0x93: {  	_ =	strace s4  }
0x94: {  	s4 =	sld [smem:$0x3FFC];
	_ =	sdelay $0x3  }
0x95: {  	_ =	strace s4  }
0x96: {  	s4 =	sld [smem:$0x3FFD];
	_ =	sdelay $0x3  }
0x97: {  	_ =	strace s4  }
0x98: {  	_ =	strace $0x8FFFFFFF  }
0x99: {  	s19 =	sld [smem:$0x3FDB];
	_ =	sdelay $0x1  }
0x9a: {  	s5 =	simm.s32 $_scs_section_size  }
0x9b: {  	s6 =	simm.s32 $_size__tile_overlayer_lowered;
	s7 =	simm.s32 $_tile_overlayer_lowered  }
0x9c: {  	s22 =	simm.s32 $0x1BFF;
	s21 =	sshll.u32 s7, $0x1;
	s4 =	sadd.s32 s5, s19  }
0x9d: {  	s8 =	simm.s32 $0x0;
	s20 =	sshll.u32 s6, $0x1;
	s6 =	sadd.s32 s21, s4  }
0x9e: {  	[timem:s8], [sflag:s22] =	dma.local [hbm:s6], s20  }
0x9f: {  	_ =	swait.ge [sflag:s22], s20  }
0xa0: {  	s5 =	ssub.s32 $0x0, s20;
	[sflag:s22] =	ssyncset.done $0x0  }
0xa1: {  	[sflag:s22] =	ssyncadd.s32 s5;
	_ =	sdelay $0x1  }
0xa2: {  	s23 =	simm.s32 $0x1B8B  }
0xa3: {  	_ =	swait.ge [sflag:s23], $0x1  }
0xa4: {  	[sflag:s23] =	ssyncset.done $0x0  }
0xa5: {  	s25 =	simm.s32 $0x1B8E;
	s24 =	sld [smem:$0x3FFE];
	[sflag:s23] =	ssyncadd.s32 $0xFFFFFFFF  }
0xa6: {  	s26 =	simm.s32 $execute0_lowered;
	[smem:$0x3FD2] =	sst s25  }
0xa7: {  	s6 =	sshll.u32 s26, $0x1;
	_ =	strace $0x80000046;
	[dreg:$0x1] =	wrdreg $0xFFFFFFFF  }
0xa8: {  	s28 =	simm.s32 $_size_execute0_lowered;
	s4 =	sadd.s32 s4, s6;
	[dreg:$0x0] =	wrdreg $0x0  }
0xa9: {  	s6 =	sshll.u32 s28, $0x1;
	[dreg:$0x2] =	wrdreg s4  }
0xaa: {  	[dreg:$0x3] =	wrdreg s6  }
0xab: {  	[dreg:$0x4] =	wrdreg $0xC0  }
0xac: {  	_ =	task [dreg:s8], $0x5FFFF  }
0xad: {  	[dreg:$0x1] =	wrdreg $0xFFFFFFFF  }
0xae: {  	[dreg:$0x0] =	wrdreg $0x60  }
0xaf: {  	[dreg:$0x2] =	wrdreg s2  }
0xb0: {  	[dreg:$0x3] =	wrdreg s18  }
0xb1: {  	[dreg:$0x4] =	wrdreg s24  }
0xb2: {  	[dreg:$0x5] =	wrdreg $0x41000  }
0xb3: {  	[dreg:$0x6] =	wrdreg $0x9  }
0xb4: {  	_ =	task.clear_ibuf [dreg:s8], $0x7FFFF;
	_ =	strace $0x90000046  }
0xb5: {  	s29 =	simm.s32 $0x9;
	_ =	strace $0x80000048  }
0xb6: {  	_ =	swait.ge [sflag:s29], $0x1  }
0xb7: {  	[sflag:s29] =	ssyncadd.s32 $0xFFFFFFFF  }
0xb8: {  	_ =	strace $0x90000048  }
0xb9: {  	_ =	sfence  }
0xba: {  	s30 =	sld [smem:$0x0];
	_ =	sdelay $0x2  }
0xbb: {  	s31 =	sshll.u32 s1, $0xD;
	s1 =	sshrl.u32 s1, $0x2  }
0xbc: {  	s3 =	sand.u32 $0x4000, s31;
	s1 =	sadd.s32 s1, s30  }
0xbd: {  	s0 =	sor.u32 s3, s0;
	s1 =	sshll.u32 s1, $0x11  }
0xbe: {  	s0 =	sor.u32 s1, s0  }
0xbf: {  	s0 =	sadd.s32 $0x8F2B, s0  }
0xc0: {  	[sflag:s0] =	ssyncadd.remote.s32 $0x1  }
0xc1: {  	_ =	sfence.sel $0xFFFF  }
0xc2: {  	[dreg:$0x0] =	wrdreg $0xFFFFFFFF;
	(pc) =	sbr.abs _section_cstart, $3  }
0xc3: {  	[dreg:$0x1] =	wrdreg $0xFFFFFFFF  }
0xc4: {  	_ =	task.clear_ibuf [dreg:s8], $0x2FFFF;
	_ =	strace $0x9FFFFFFF  }
0xc5: {  	(tm) =	ssettm $0x7FFFFFFF  }
tec
execute0_lowered:
.L_overlay_start_1:
0x0: {  	(tag) =	ssettag $0x1  }
0x1: {  	s8 =	rddreg [dreg:$0x0]  }
0x2: {  	s1 =	rddreg [dreg:$0x1]  }
0x3: {  	s5 =	rddreg [dreg:$0x2];
	s0 =	stileid.u32  }
0x4: {  	s2 =	srdreg.scid;
	s3 =	rddreg [dreg:$0x3];
	s4 =	simm.s32 $0x0  }
0x5: {  	s6 =	smul.u32 $0x14000, s0;
	s9 =	sand.u32 $0x1, s2;
	s2 =	rddreg [dreg:$0x4]  }
0x6: {  	[smem:$0x7FF] =	sst s4;
	s11 =	smul.u32 $0x50000, s0  }
0x7: {  	s31 =	sshll.u32 s0, $0x6;
	s7 =	smul.u32 $0x140000, s9;
	_ =	strace $0x80000047  }
0x8: {  	s28 =	ssub.s32 $0x2, s9;
	s14 =	sshll.u32 s9, $0x5;
	s10 =	sshrl.u32 s6, $0x3  }
0x9: {  	s29 =	sshrl.u32 s28, $0x1;
	s30 =	sshrl.u32 s11, $0x2;
	s6 =	sadd.s32 s6, s7  }
0xa: {  	s10 =	sadd.s32 s10, s5;
	s13 =	ssub.s32 s28, s29;
	s11 =	sadd.s32 s30, s3  }
0xb: {  	s7 =	sor.u32 $0x1C01, s31;
	s6 =	sshrl.u32 s6, $0x3;
	s9 =	smax.u32 s13, $0x1  }
0xc: {  	s12 =	sadd.s32 s6, s5;
	s6 =	sadd.s32 $0x4600, s10;
	s10 =	sadd.s32 s31, s8  }
0xd: {  	s11 =	sshrl.u32 s11, $0x3;
	s5 =	sshll.u32 s0, $0x1;
	s10 =	sadd.s32 s14, s10  }
0xe: {  	s8 =	sadd.s32 $0x2C600, s12;
	s12 =	simm.s32 $0x1;
	s10 =	sadd.s32 $0x10, s10  }
.LBB2_1:
0xf: {  	[spmem:s11], [sflag:s7] =	dma.local [hbm:s6], $0x2800  }
0x10: {  	s13 =	sadd.s32 $0x0, s5;
	_ =	swait.ge [sflag:s12], $0x2800  }
0x11: {  	p0 =	sgt.u32 s13, $0x9C3;
	[sflag:s12] =	ssyncset.done $0x0  }
0x12: {  	s13 =	sadd.s32 @!p0 $0xFFFFFFF0, s10;
	[sflag:s12] =	ssyncadd.s32 $0xFFFFD800  }
0x13: {  	s14 =	simm.s32 @!p0 $0x0;
	s15 =	simm.s32 @!p0 $0x2;
	[bflag:$0x0] =	sbarrier.arrive $0xFFFF  }
0x14: {  	[tilespmem:s14], [sflag:$0x2] =	stream.linear.gather @!p0 [hbm4b:s13+s14], $0x80, $0x38;
	[tilespmem:$0x18100] =	vst v63  }
0x15: {  	_ =	swait.ge @!p0 [sflag:s15], $0x80;
	p0 =	por p0, p0  }
0x16: {  	[sflag:s15] =	ssyncset.done @!p0 $0x0  }
0x17: {  	s13 =	simm.s32 @!p0 $0x80;
	[sflag:s15] =	ssyncadd.s32 @!p0 $0xFFFFFF80  }
0x18: {  	[tilespmem:s13], [sflag:$0x2] =	stream.linear.gather @!p0 [hbm4b:s10+s14], $0x80, $0x38;
	[tilespmem:$0x18100] =	vst v63  }
0x19: {  	_ =	swait.ge @!p0 [sflag:s15], $0x80  }
0x1a: {  	[sflag:s15] =	ssyncset.done @!p0 $0x0  }
0x1b: {  	s16 =	simm.s32 @!p0 $0x100;
	[sflag:s15] =	ssyncadd.s32 @!p0 $0xFFFFFF80  }
0x1c: {  	[tilespmem:s16], [sflag:$0x2] =	stream.indirect.gather @!p0 [hbm4b:s1+s13], $0x80, s14, s13, $0xb8;
	[tilespmem:$0x18100] =	vst v63  }
0x1d: {  	_ =	swait.ge @!p0 [sflag:s15], $0x4000  }
0x1e: {  	s31 =	sadd.s32 $0x20, s5;
	[sflag:s15] =	ssyncset.done @!p0 $0x0  }
0x1f: {  	p2 =	sgt.u32 s31, $0x9C3;
	[sflag:s15] =	ssyncadd.s32 @!p0 $0xFFFFC000;
	s15 =	simm.s32 @!p0 $0x1  }
0x20: {  	[spmem:s3] =	stream.indirect.scatter.add.f32 @!p0 [tilespmem:s16], [sflag:$0x1], $0x80, s13, s13, $0xb8;
	[tilespmem:$0x18100] =	vst v63  }
0x21: {  	s14 =	simm.s32 $0x40;
	s13 =	sadd.s32 $0x400, s10;
	_ =	swait.ge @!p0 [sflag:s15], $0x4000  }
.LBB2_2:
0x22: {  	s16 =	sadd.s32 @!p2 $0xFFFFFFF0, s13  }
0x23: {  	s17 =	simm.s32 @!p2 $0x0;
	[sflag:s15] =	ssyncset.done @!p0 $0x0;
	s18 =	smov.u32 s14  }
0x24: {  	s14 =	sadd.s32 $0x20, s14;
	s19 =	simm.s32 @!p2 $0x2;
	[sflag:s15] =	ssyncadd.s32 @!p0 $0xFFFFC000  }
0x25: {  	[tilespmem:s17], [sflag:$0x2] =	stream.linear.gather @!p2 [hbm4b:s16+s17], $0x80, $0x38;
	[tilespmem:$0x18100] =	vst v63  }
0x26: {  	p1 =	sne.s32 s14, $0x9E0;
	p0 =	por p2, p2;
	_ =	swait.ge @!p2 [sflag:s19], $0x80  }
0x27: {  	[sflag:s19] =	ssyncset.done @!p0 $0x0  }
0x28: {  	s16 =	simm.s32 @!p0 $0x80;
	[sflag:s19] =	ssyncadd.s32 @!p0 $0xFFFFFF80  }
0x29: {  	[tilespmem:s16], [sflag:$0x2] =	stream.linear.gather @!p0 [hbm4b:s13+s17], $0x80, $0x38;
	[tilespmem:$0x18100] =	vst v63  }
0x2a: {  	_ =	swait.ge @!p0 [sflag:s19], $0x80  }
0x2b: {  	[sflag:s19] =	ssyncset.done @!p0 $0x0  }
0x2c: {  	s20 =	simm.s32 @!p0 $0x100;
	[sflag:s19] =	ssyncadd.s32 @!p0 $0xFFFFFF80  }
0x2d: {  	[tilespmem:s20], [sflag:$0x2] =	stream.indirect.gather @!p0 [hbm4b:s1+s16], $0x80, s17, s16, $0xb8;
	[tilespmem:$0x18100] =	vst v63  }
.Ltmp0:
0x2e: {  	_ =	swait.ge @!p0 [sflag:s19], $0x4000;
	(pc) =	sbr.rel @p1 .LBB2_2-.Ltmp0, $4  }
0x2f: {  	[sflag:s19] =	ssyncset.done @!p0 $0x0  }
0x30: {  	s15 =	simm.s32 @!p0 $0x1;
	s17 =	sadd.s32 s18, s5;
	[sflag:s19] =	ssyncadd.s32 @!p0 $0xFFFFC000  }
0x31: {  	[spmem:s3] =	stream.indirect.scatter.add.f32 @!p0 [tilespmem:s20], [sflag:$0x1], $0x80, s16, s16, $0xb8;
	[tilespmem:$0x18100] =	vst v63  }
0x32: {  	s13 =	sadd.s32 $0x400, s13;
	p2 =	sgt.u32 s17, $0x9C3;
	_ =	swait.ge @!p0 [sflag:s15], $0x4000  }
0x33: {  	s14 =	sadd.s32 @!p2 $0xFFFFFFF0, s13;
	[sflag:s15] =	ssyncset.done @!p0 $0x0  }
0x34: {  	s16 =	simm.s32 @!p2 $0x0;
	s17 =	simm.s32 @!p2 $0x2;
	[sflag:s15] =	ssyncadd.s32 @!p0 $0xFFFFC000  }
0x35: {  	[tilespmem:s16], [sflag:$0x2] =	stream.linear.gather @!p2 [hbm4b:s14+s16], $0x80, $0x38;
	[tilespmem:$0x18100] =	vst v63  }
0x36: {  	p0 =	por p2, p2;
	_ =	swait.ge @!p2 [sflag:s17], $0x80  }
0x37: {  	[sflag:s17] =	ssyncset.done @!p0 $0x0  }
0x38: {  	s14 =	simm.s32 @!p0 $0x80;
	[sflag:s17] =	ssyncadd.s32 @!p0 $0xFFFFFF80  }
0x39: {  	[tilespmem:s14], [sflag:$0x2] =	stream.linear.gather @!p0 [hbm4b:s13+s16], $0x80, $0x38;
	[tilespmem:$0x18100] =	vst v63  }
0x3a: {  	_ =	swait.ge @!p0 [sflag:s17], $0x80  }
0x3b: {  	[sflag:s17] =	ssyncset.done @!p0 $0x0  }
0x3c: {  	s13 =	simm.s32 @!p0 $0x100;
	[sflag:s17] =	ssyncadd.s32 @!p0 $0xFFFFFF80  }
0x3d: {  	[tilespmem:s13], [sflag:$0x2] =	stream.indirect.gather @!p0 [hbm4b:s1+s14], $0x80, s16, s14, $0xb8;
	[tilespmem:$0x18100] =	vst v63  }
0x3e: {  	_ =	swait.ge @!p0 [sflag:s17], $0x4000  }
0x3f: {  	[sflag:s17] =	ssyncset.done @!p0 $0x0  }
0x40: {  	s15 =	simm.s32 @!p0 $0x1;
	[sflag:s17] =	ssyncadd.s32 @!p0 $0xFFFFC000  }
0x41: {  	[spmem:s3] =	stream.indirect.scatter.add.f32 @!p0 [tilespmem:s13], [sflag:$0x1], $0x80, s14, s14, $0xb8;
	[tilespmem:$0x18100] =	vst v63  }
0x42: {  	_ =	swait.ge @!p0 [sflag:s15], $0x4000  }
0x43: {  	s4 =	sadd.s32 $0x1, s4;
	[sflag:s15] =	ssyncset.done @!p0 $0x0  }
0x44: {  	[sflag:s15] =	ssyncadd.s32 @!p0 $0xFFFFC000;
	p0 =	sne.s32 s4, s9  }
.Ltmp1:
0x45: {  	[bflag:$0x0] =	sbarrier.arrive $0xFFFF;
	(pc) =	sbr.rel @p0 .LBB2_1-.Ltmp1, $4  }
0x46: {  	[hbm:s8], [sflag:s7] =	dma.local [spmem:s11], $0x2800  }
0x47: {  	_ =	swait.ge [sflag:s12], $0x2800  }
0x48: {  	[sflag:s12] =	ssyncset.done $0x0  }
0x49: {  	[sflag:s12] =	ssyncadd.s32 $0xFFFFD800  }
0x4a: {  	_ =	sfence.sel $0x180000  }
0x4b: {  	[bflag:$0x0] =	sbarrier.arrive $0xFFFF  }
0x4c: {  	p0 =	sne.s32 s0, $0x0;
	_ =	strace $0x90000047  }
0x4d: {  	s0 =	sadd.s32 @!p0 $0x100000, s2;
	[bflag:$0x2] =	sbarrier.arrive $0xFFFF  }
0x4e: {  	[sflag:s0] =	ssyncadd.tile.s32 @!p0 $0x1;
	_ =	shalt  }
.Lfunc_end2:
_tile_overlayer_lowered:
.L_overlay_start_2:
0x4f: {  	(tag) =	ssettag $0x2  }
0x50: {  	s0 =	rddreg [dreg:$0x0];
	s2 =	stileid.u32  }
0x51: {  	s1 =	rddreg [dreg:$0x1];
	p0 =	sne.s32 s2, $0x0  }
0x52: {  	s3 =	rddreg [dreg:$0x2];
	[bflag:$0x3] =	sbarrier.arrive $0xFFFF;
	s2 =	simm.s32 @!p0 $0x1C01  }
0x53: {  	[timem:s3], [sflag:s2] =	dma.local @!p0 [hbm:s0], s1  }
0x54: {  	s0 =	simm.s32 @!p0 $0x1  }
0x55: {  	_ =	swait.ge @!p0 [sflag:s0], s1  }
0x56: {  	s1 =	ssub.s32 @!p0 $0x0, s1;
	[sflag:s0] =	ssyncset.done @!p0 $0x0  }
0x57: {  	[sflag:s0] =	ssyncadd.s32 @!p0 s1  }
0x58: {  	[bflag:$0x3] =	sbarrier.arrive $0xFFFF  }
0x59: {  	_ =	shalt  }

// kernel: kernel.14.cloned.1.call-start
scs
__scs_entry_jumppad:
0x0: {  	(pc) =	sbr.rel $0x88, $3  }
0x1: {  	(tag) =	ssettag $0x0;
	lr =	simm.s32 $0x1  }
0x2: {  	[smem:$0x3F94] =	sst lr;
	_ =	strace $0xD0000000  }
0x3: {  	_ = 	snop  }
0x4: {  	_ = 	snop  }
0x5: {  	_ = 	snop  }
0x6: {  	_ = 	snop  }
0x7: {  	_ = 	snop  }
__scs_overlays_trampoline_lowered:
0x8: {  	[smem:$0x3FA3] =	sst s0  }
0x9: {  	[smem:$0x3FA4] =	sst s1  }
0xa: {  	[smem:$0x3FA5] =	sst s2  }
0xb: {  	[smem:$0x3FA6] =	sst s3  }
0xc: {  	[smem:$0x3FA7] =	sst s4  }
0xd: {  	[smem:$0x3FA8] =	sst s5  }
0xe: {  	[smem:$0x3FA9] =	sst s6  }
0xf: {  	[smem:$0x3FAA] =	sst s7  }
0x10: {  	[smem:$0x3FAB] =	sst s8  }
0x11: {  	[smem:$0x3FAC] =	sst s9;
	s0 =	simm.s32 @!p0 $0x0  }
0x12: {  	s1 =	sld [smem:$0x3F92];
	s0 =	simm.s32 @p0 $0x1  }
0x13: {  	[smem:$0x3FAD] =	sst s0;
	s0 =	simm.s32 @!p1 $0x0  }
0x14: {  	s2 =	sld [smem:$0x3F91];
	s0 =	simm.s32 @p1 $0x1  }
0x15: {  	[smem:$0x3FAE] =	sst s0;
	s0 =	simm.s32 @!p2 $0x0  }
0x16: {  	s3 =	sld [smem:$0x3FDB];
	s0 =	simm.s32 @p2 $0x1  }
0x17: {  	s4 =	simm.s32 $0x1BF5;
	[smem:$0x3FB0] =	sst s0  }
0x18: {  	s0 =	sld [smem:$0x3F93];
	_ =	swait.ge [sflag:s4], $0x0  }
0x19: {  	s7 =	sld [smem:$0x3F94]  }
0x1a: {  	s8 =	sadd.s32 $0xFFFFE003, lr  }
0x1b: {  	s9 =	sadd.s32 $0xFFFFFEF7, lr;
	s5 =	simm.s32 $0xFFFFFFFF;
	p2 =	slt.u32 s8, $0xFFFFF086  }
0x1c: {  	p1 =	slt.u32 s9, $0xF7A;
	s5 =	simm.s32 @!p2 $0x0  }
0x1d: {  	s5 =	simm.s32 @p1 $0x1;
	p0 =	seq.s32 s7, s2  }
0x1e: {  	s7 =	smul.u32 @!p0 $0xF7A, s2;
	p2 =	seq.s32 @!p0 s5, $0x0  }
0x1f: {  	s9 =	smul.u32 $0xF7A, s1;
	s8 =	simm.s32 @!p0 $0x1BF5;
	p2 =	por !p2, p0  }
0x20: {  	[sflag:s8] =	ssyncset.s32 @!p0 $0xFFFFF086;
	s6 =	sadd.s32 @!p0 s3, s7;
	s7 =	simm.s32 @!p0 $0x108  }
0x21: {  	s3 =	sadd.s32 s3, s9;
	s6 =	sadd.s32 @!p0 $0x88, s6;
	s7 =	simm.s32 @p2 $0x1082  }
0x22: {  	[simem:s7], [sflag:s8] =	dma.local @!p0 [hbm:s6], $0xF7A  }
0x23: {  	s9 =	sor.u32 $0xD0000000, s2;
	s6 =	simm.s32 $0x108;
	_ =	swait.ge @!p0 [sflag:s8], $0x0  }
0x24: {  	s3 =	sadd.s32 $0x88, s3;
	s6 =	simm.s32 @!p1 $0x1082;
	[sflag:s4] =	ssyncset.s32 $0xFFFFF086  }
0x25: {  	[simem:s6], [sflag:s4] =	dma.local [hbm:s3], $0xF7A  }
0x26: {  	[smem:$0x3F94] =	sst s1;
	(tag) =	ssettag s2;
	_ =	strace s9  }
0x27: {  	s1 =	sld [smem:$0x3FA4]  }
0x28: {  	s2 =	sld [smem:$0x3FA5]  }
0x29: {  	s4 =	sld [smem:$0x3FA7]  }
0x2a: {  	p0 =	seq.s32 s5, $0x0;
	s5 =	sld [smem:$0x3FA8]  }
0x2b: {  	s6 =	sld [smem:$0x3FA9]  }
0x2c: {  	s7 =	sld [smem:$0x3FAA]  }
0x2d: {  	s3 =	simm.s32 $0x108;
	s8 =	sld [smem:$0x3FAB]  }
0x2e: {  	s3 =	simm.s32 @!p0 $0x1082;
	s9 =	sld [smem:$0x3FAC]  }
0x2f: {  	lr =	sadd.s32 s0, s3;
	s0 =	sld [smem:$0x3FA3]  }
0x30: {  	s3 =	sld [smem:$0x3FA6]  }
0x31: {  	[smem:$0x3FAF] =	sst s10  }
0x32: {  	s10 =	sld [smem:$0x3FAD];
	_ =	sdelay $0x3  }
0x33: {  	p0 =	seq.s32 s10, $0x1;
	s10 =	sld [smem:$0x3FAF];
	_ =	sdelay $0x3  }
0x34: {  	[smem:$0x3FAF] =	sst s10  }
0x35: {  	s10 =	sld [smem:$0x3FAE];
	_ =	sdelay $0x3  }
0x36: {  	p1 =	seq.s32 s10, $0x1;
	s10 =	sld [smem:$0x3FAF];
	_ =	sdelay $0x3  }
0x37: {  	[smem:$0x3FAF] =	sst s10  }
0x38: {  	s10 =	sld [smem:$0x3FB0]  }
0x39: {  	_ = 	snop;
	(pc) =	sbr.ind lr, $3  }
0x3a: {  	_ = 	snop  }
0x3b: {  	_ = 	snop  }
0x3c: {  	p2 =	seq.s32 s10, $0x1;
	s10 =	sld [smem:$0x3FAF]  }
0x3d: {  	_ =	shalt  }
0x3e: {  	_ =	shalt  }
0x3f: {  	_ =	shalt  }
0x40: {  	_ =	shalt  }
0x41: {  	_ =	shalt  }
0x42: {  	_ =	shalt  }
0x43: {  	_ =	shalt  }
0x44: {  	_ =	shalt  }
0x45: {  	_ =	shalt  }
0x46: {  	_ =	shalt  }
0x47: {  	_ =	shalt  }
0x48: {  	_ =	shalt  }
0x49: {  	_ =	shalt  }
0x4a: {  	_ =	shalt  }
0x4b: {  	_ =	shalt  }
0x4c: {  	_ =	shalt  }
0x4d: {  	_ =	shalt  }
0x4e: {  	_ =	shalt  }
0x4f: {  	_ =	shalt  }
0x50: {  	_ =	shalt  }
0x51: {  	_ =	shalt  }
0x52: {  	_ =	shalt  }
0x53: {  	_ =	shalt  }
0x54: {  	_ =	shalt  }
0x55: {  	_ =	shalt  }
0x56: {  	_ =	shalt  }
0x57: {  	_ =	shalt  }
0x58: {  	_ =	shalt  }
0x59: {  	_ =	shalt  }
0x5a: {  	_ =	shalt  }
0x5b: {  	_ =	shalt  }
0x5c: {  	_ =	shalt  }
0x5d: {  	_ =	shalt  }
0x5e: {  	_ =	shalt  }
0x5f: {  	_ =	shalt  }
0x60: {  	_ =	shalt  }
0x61: {  	_ =	shalt  }
0x62: {  	_ =	shalt  }
0x63: {  	_ =	shalt  }
0x64: {  	_ =	shalt  }
0x65: {  	_ =	shalt  }
0x66: {  	_ =	shalt  }
0x67: {  	_ =	shalt  }
0x68: {  	_ =	shalt  }
0x69: {  	_ =	shalt  }
0x6a: {  	_ =	shalt  }
0x6b: {  	_ =	shalt  }
0x6c: {  	_ =	shalt  }
0x6d: {  	_ =	shalt  }
0x6e: {  	_ =	shalt  }
0x6f: {  	_ =	shalt  }
0x70: {  	_ =	shalt  }
0x71: {  	_ =	shalt  }
0x72: {  	_ =	shalt  }
0x73: {  	_ =	shalt  }
0x74: {  	_ =	shalt  }
0x75: {  	_ =	shalt  }
0x76: {  	_ =	shalt  }
0x77: {  	_ =	shalt  }
0x78: {  	_ =	shalt  }
0x79: {  	_ =	shalt  }
0x7a: {  	_ =	shalt  }
0x7b: {  	_ =	shalt  }
0x7c: {  	_ =	shalt  }
0x7d: {  	_ =	shalt  }
0x7e: {  	_ =	shalt  }
0x7f: {  	_ =	shalt  }
0x80: {  	_ =	shalt  }
0x81: {  	_ =	shalt  }
0x82: {  	_ =	shalt  }
0x83: {  	_ =	shalt  }
0x84: {  	_ =	shalt  }
0x85: {  	_ =	shalt  }
0x86: {  	_ =	shalt  }
0x87: {  	_ =	shalt  }
.Lfunc_end0:
.L_simem_size_0:
called_computation.1_lowered:
.L_overlay_start_0:
0x88: {  	s2 =	sld [smem:$0x3FD9]  }
0x89: {  	s3 =	sld [smem:$0x3FFE];
	_ =	sdelay $0x1  }
0x8a: {  	s1 =	srdreg.scid  }
0x8b: {  	s0 =	sand.u32 $0x1, s1  }
0x8c: {  	s17 =	sshll.u32 s0, $0xA;
	s2 =	sadd.s32 s3, s2  }
0x8d: {  	s2 =	sadd.s32 s2, s17  }
0x8e: {  	[smem:$0x3FBB] =	sst s2  }
0x8f: {  	_ = 	snop  }
0x90: {  	s2 =	sld [smem:$0x3FC8]  }
0x91: {  	s18 =	sld [smem:$0x3FD0];
	(tm) =	ssettm $0x1  }
0x92: {  	s4 =	sld [smem:$0x3FFB];
	_ =	sdelay $0x3  }
0x93: {  	_ =	strace s4  }
0x94: {  	s4 =	sld [smem:$0x3FFC];
	_ =	sdelay $0x3  }
0x95: {  	_ =	strace s4  }
0x96: {  	s4 =	sld [smem:$0x3FFD];
	_ =	sdelay $0x3  }
0x97: {  	_ =	strace s4  }
0x98: {  	_ =	strace $0x8FFFFFFF  }
0x99: {  	s19 =	sld [smem:$0x3FDB];
	_ =	sdelay $0x1  }
0x9a: {  	s5 =	simm.s32 $_scs_section_size  }
0x9b: {  	s6 =	simm.s32 $_size__tile_overlayer_lowered;
	s7 =	simm.s32 $_tile_overlayer_lowered  }
0x9c: {  	s22 =	simm.s32 $0x1BFF;
	s21 =	sshll.u32 s7, $0x1;
	s4 =	sadd.s32 s5, s19  }
0x9d: {  	s8 =	simm.s32 $0x0;
	s20 =	sshll.u32 s6, $0x1;
	s6 =	sadd.s32 s21, s4  }
0x9e: {  	[timem:s8], [sflag:s22] =	dma.local [hbm:s6], s20  }
0x9f: {  	_ =	swait.ge [sflag:s22], s20  }
0xa0: {  	s5 =	ssub.s32 $0x0, s20;
	[sflag:s22] =	ssyncset.done $0x0  }
0xa1: {  	[sflag:s22] =	ssyncadd.s32 s5;
	_ =	sdelay $0x1  }
0xa2: {  	s23 =	simm.s32 $0x1B8B  }
0xa3: {  	_ =	swait.ge [sflag:s23], $0x1  }
0xa4: {  	[sflag:s23] =	ssyncset.done $0x0  }
0xa5: {  	s25 =	simm.s32 $0x1B8E;
	s24 =	sld [smem:$0x3FFE];
	[sflag:s23] =	ssyncadd.s32 $0xFFFFFFFF  }
0xa6: {  	s26 =	simm.s32 $execute0_lowered;
	[smem:$0x3FD2] =	sst s25  }
0xa7: {  	s6 =	sshll.u32 s26, $0x1;
	_ =	strace $0x80000049;
	[dreg:$0x1] =	wrdreg $0xFFFFFFFF  }
0xa8: {  	s28 =	simm.s32 $_size_execute0_lowered;
	s4 =	sadd.s32 s4, s6;
	[dreg:$0x0] =	wrdreg $0x0  }
0xa9: {  	s6 =	sshll.u32 s28, $0x1;
	[dreg:$0x2] =	wrdreg s4  }
0xaa: {  	[dreg:$0x3] =	wrdreg s6  }
0xab: {  	[dreg:$0x4] =	wrdreg $0xC0  }
0xac: {  	_ =	task [dreg:s8], $0x5FFFF  }
0xad: {  	[dreg:$0x1] =	wrdreg $0xFFFFFFFF  }
0xae: {  	[dreg:$0x0] =	wrdreg $0x60  }
0xaf: {  	[dreg:$0x2] =	wrdreg s2  }
0xb0: {  	[dreg:$0x3] =	wrdreg s18  }
0xb1: {  	[dreg:$0x4] =	wrdreg s24  }
0xb2: {  	[dreg:$0x5] =	wrdreg $0x41000  }
0xb3: {  	[dreg:$0x6] =	wrdreg $0x9  }
0xb4: {  	_ =	task.clear_ibuf [dreg:s8], $0x7FFFF;
	_ =	strace $0x90000049  }
0xb5: {  	s29 =	simm.s32 $0x9;
	_ =	strace $0x8000004B  }
0xb6: {  	_ =	swait.ge [sflag:s29], $0x1  }
0xb7: {  	[sflag:s29] =	ssyncadd.s32 $0xFFFFFFFF  }
0xb8: {  	_ =	strace $0x9000004B  }
0xb9: {  	_ =	sfence  }
0xba: {  	s30 =	sld [smem:$0x0];
	_ =	sdelay $0x2  }
0xbb: {  	s31 =	sshll.u32 s1, $0xD;
	s1 =	sshrl.u32 s1, $0x2  }
0xbc: {  	s3 =	sand.u32 $0x4000, s31;
	s1 =	sadd.s32 s1, s30  }
0xbd: {  	s0 =	sor.u32 s3, s0;
	s1 =	sshll.u32 s1, $0x11  }
0xbe: {  	s0 =	sor.u32 s1, s0  }
0xbf: {  	s0 =	sadd.s32 $0x8F2B, s0  }
0xc0: {  	[sflag:s0] =	ssyncadd.remote.s32 $0x1  }
0xc1: {  	_ =	sfence.sel $0xFFFF  }
0xc2: {  	[dreg:$0x0] =	wrdreg $0xFFFFFFFF;
	(pc) =	sbr.abs _section_cstart, $3  }
0xc3: {  	[dreg:$0x1] =	wrdreg $0xFFFFFFFF  }
0xc4: {  	_ =	task.clear_ibuf [dreg:s8], $0x2FFFF;
	_ =	strace $0x9FFFFFFF  }
0xc5: {  	(tm) =	ssettm $0x7FFFFFFF  }
tec
execute0_lowered:
.L_overlay_start_1:
0x0: {  	(tag) =	ssettag $0x1  }
0x1: {  	s8 =	rddreg [dreg:$0x0]  }
0x2: {  	s1 =	rddreg [dreg:$0x1]  }
0x3: {  	s5 =	rddreg [dreg:$0x2];
	s0 =	stileid.u32  }
0x4: {  	s2 =	srdreg.scid;
	s3 =	rddreg [dreg:$0x3];
	s4 =	simm.s32 $0x0  }
0x5: {  	s6 =	smul.u32 $0x14000, s0;
	s9 =	sand.u32 $0x1, s2;
	s2 =	rddreg [dreg:$0x4]  }
0x6: {  	[smem:$0x7FF] =	sst s4;
	s11 =	smul.u32 $0x50000, s0  }
0x7: {  	s31 =	sshll.u32 s0, $0x6;
	s7 =	smul.u32 $0x140000, s9;
	_ =	strace $0x8000004A  }
0x8: {  	s28 =	ssub.s32 $0x2, s9;
	s14 =	sshll.u32 s9, $0x5;
	s10 =	sshrl.u32 s6, $0x3  }
0x9: {  	s29 =	sshrl.u32 s28, $0x1;
	s30 =	sshrl.u32 s11, $0x2;
	s6 =	sadd.s32 s6, s7  }
0xa: {  	s10 =	sadd.s32 s10, s5;
	s13 =	ssub.s32 s28, s29;
	s11 =	sadd.s32 s30, s3  }
0xb: {  	s7 =	sor.u32 $0x1C01, s31;
	s6 =	sshrl.u32 s6, $0x3;
	s9 =	smax.u32 s13, $0x1  }
0xc: {  	s12 =	sadd.s32 s6, s5;
	s6 =	sadd.s32 $0x4600, s10;
	s10 =	sadd.s32 s31, s8  }
0xd: {  	s11 =	sshrl.u32 s11, $0x3;
	s5 =	sshll.u32 s0, $0x1;
	s10 =	sadd.s32 s14, s10  }
0xe: {  	s8 =	sadd.s32 $0x2C600, s12;
	s12 =	simm.s32 $0x1;
	s10 =	sadd.s32 $0x10, s10  }
.LBB2_1:
0xf: {  	[spmem:s11], [sflag:s7] =	dma.local [hbm:s6], $0x2800  }
0x10: {  	s13 =	sadd.s32 $0x0, s5;
	_ =	swait.ge [sflag:s12], $0x2800  }
0x11: {  	p0 =	sgt.u32 s13, $0x9C3;
	[sflag:s12] =	ssyncset.done $0x0  }
0x12: {  	s13 =	sadd.s32 @!p0 $0xFFFFFFF0, s10;
	[sflag:s12] =	ssyncadd.s32 $0xFFFFD800  }
0x13: {  	s14 =	simm.s32 @!p0 $0x0;
	s15 =	simm.s32 @!p0 $0x2;
	[bflag:$0x0] =	sbarrier.arrive $0xFFFF  }
0x14: {  	[tilespmem:s14], [sflag:$0x2] =	stream.linear.gather @!p0 [hbm4b:s13+s14], $0x80, $0x38;
	[tilespmem:$0x18100] =	vst v63  }
0x15: {  	_ =	swait.ge @!p0 [sflag:s15], $0x80;
	p0 =	por p0, p0  }
0x16: {  	[sflag:s15] =	ssyncset.done @!p0 $0x0  }
0x17: {  	s13 =	simm.s32 @!p0 $0x80;
	[sflag:s15] =	ssyncadd.s32 @!p0 $0xFFFFFF80  }
0x18: {  	[tilespmem:s13], [sflag:$0x2] =	stream.linear.gather @!p0 [hbm4b:s10+s14], $0x80, $0x38;
	[tilespmem:$0x18100] =	vst v63  }
0x19: {  	_ =	swait.ge @!p0 [sflag:s15], $0x80  }
0x1a: {  	[sflag:s15] =	ssyncset.done @!p0 $0x0  }
0x1b: {  	s16 =	simm.s32 @!p0 $0x100;
	[sflag:s15] =	ssyncadd.s32 @!p0 $0xFFFFFF80  }
0x1c: {  	[tilespmem:s16], [sflag:$0x2] =	stream.indirect.gather @!p0 [hbm4b:s1+s13], $0x80, s14, s13, $0xb8;
	[tilespmem:$0x18100] =	vst v63  }
0x1d: {  	_ =	swait.ge @!p0 [sflag:s15], $0x4000  }
0x1e: {  	s31 =	sadd.s32 $0x20, s5;
	[sflag:s15] =	ssyncset.done @!p0 $0x0  }
0x1f: {  	p2 =	sgt.u32 s31, $0x9C3;
	[sflag:s15] =	ssyncadd.s32 @!p0 $0xFFFFC000;
	s15 =	simm.s32 @!p0 $0x1  }
0x20: {  	[spmem:s3] =	stream.indirect.scatter.add.f32 @!p0 [tilespmem:s16], [sflag:$0x1], $0x80, s13, s13, $0xb8;
	[tilespmem:$0x18100] =	vst v63  }
0x21: {  	s14 =	simm.s32 $0x40;
	s13 =	sadd.s32 $0x400, s10;
	_ =	swait.ge @!p0 [sflag:s15], $0x4000  }
.LBB2_2:
0x22: {  	s16 =	sadd.s32 @!p2 $0xFFFFFFF0, s13  }
0x23: {  	s17 =	simm.s32 @!p2 $0x0;
	[sflag:s15] =	ssyncset.done @!p0 $0x0;
	s18 =	smov.u32 s14  }
0x24: {  	s14 =	sadd.s32 $0x20, s14;
	s19 =	simm.s32 @!p2 $0x2;
	[sflag:s15] =	ssyncadd.s32 @!p0 $0xFFFFC000  }
0x25: {  	[tilespmem:s17], [sflag:$0x2] =	stream.linear.gather @!p2 [hbm4b:s16+s17], $0x80, $0x38;
	[tilespmem:$0x18100] =	vst v63  }
0x26: {  	p1 =	sne.s32 s14, $0x9E0;
	p0 =	por p2, p2;
	_ =	swait.ge @!p2 [sflag:s19], $0x80  }
0x27: {  	[sflag:s19] =	ssyncset.done @!p0 $0x0  }
0x28: {  	s16 =	simm.s32 @!p0 $0x80;
	[sflag:s19] =	ssyncadd.s32 @!p0 $0xFFFFFF80  }
0x29: {  	[tilespmem:s16], [sflag:$0x2] =	stream.linear.gather @!p0 [hbm4b:s13+s17], $0x80, $0x38;
	[tilespmem:$0x18100] =	vst v63  }
0x2a: {  	_ =	swait.ge @!p0 [sflag:s19], $0x80  }
0x2b: {  	[sflag:s19] =	ssyncset.done @!p0 $0x0  }
0x2c: {  	s20 =	simm.s32 @!p0 $0x100;
	[sflag:s19] =	ssyncadd.s32 @!p0 $0xFFFFFF80  }
0x2d: {  	[tilespmem:s20], [sflag:$0x2] =	stream.indirect.gather @!p0 [hbm4b:s1+s16], $0x80, s17, s16, $0xb8;
	[tilespmem:$0x18100] =	vst v63  }
.Ltmp0:
0x2e: {  	_ =	swait.ge @!p0 [sflag:s19], $0x4000;
	(pc) =	sbr.rel @p1 .LBB2_2-.Ltmp0, $4  }
0x2f: {  	[sflag:s19] =	ssyncset.done @!p0 $0x0  }
0x30: {  	s15 =	simm.s32 @!p0 $0x1;
	s17 =	sadd.s32 s18, s5;
	[sflag:s19] =	ssyncadd.s32 @!p0 $0xFFFFC000  }
0x31: {  	[spmem:s3] =	stream.indirect.scatter.add.f32 @!p0 [tilespmem:s20], [sflag:$0x1], $0x80, s16, s16, $0xb8;
	[tilespmem:$0x18100] =	vst v63  }
0x32: {  	s13 =	sadd.s32 $0x400, s13;
	p2 =	sgt.u32 s17, $0x9C3;
	_ =	swait.ge @!p0 [sflag:s15], $0x4000  }
0x33: {  	s14 =	sadd.s32 @!p2 $0xFFFFFFF0, s13;
	[sflag:s15] =	ssyncset.done @!p0 $0x0  }
0x34: {  	s16 =	simm.s32 @!p2 $0x0;
	s17 =	simm.s32 @!p2 $0x2;
	[sflag:s15] =	ssyncadd.s32 @!p0 $0xFFFFC000  }
0x35: {  	[tilespmem:s16], [sflag:$0x2] =	stream.linear.gather @!p2 [hbm4b:s14+s16], $0x80, $0x38;
	[tilespmem:$0x18100] =	vst v63  }
0x36: {  	p0 =	por p2, p2;
	_ =	swait.ge @!p2 [sflag:s17], $0x80  }
0x37: {  	[sflag:s17] =	ssyncset.done @!p0 $0x0  }
0x38: {  	s14 =	simm.s32 @!p0 $0x80;
	[sflag:s17] =	ssyncadd.s32 @!p0 $0xFFFFFF80  }
0x39: {  	[tilespmem:s14], [sflag:$0x2] =	stream.linear.gather @!p0 [hbm4b:s13+s16], $0x80, $0x38;
	[tilespmem:$0x18100] =	vst v63  }
0x3a: {  	_ =	swait.ge @!p0 [sflag:s17], $0x80  }
0x3b: {  	[sflag:s17] =	ssyncset.done @!p0 $0x0  }
0x3c: {  	s13 =	simm.s32 @!p0 $0x100;
	[sflag:s17] =	ssyncadd.s32 @!p0 $0xFFFFFF80  }
0x3d: {  	[tilespmem:s13], [sflag:$0x2] =	stream.indirect.gather @!p0 [hbm4b:s1+s14], $0x80, s16, s14, $0xb8;
	[tilespmem:$0x18100] =	vst v63  }
0x3e: {  	_ =	swait.ge @!p0 [sflag:s17], $0x4000  }
0x3f: {  	[sflag:s17] =	ssyncset.done @!p0 $0x0  }
0x40: {  	s15 =	simm.s32 @!p0 $0x1;
	[sflag:s17] =	ssyncadd.s32 @!p0 $0xFFFFC000  }
0x41: {  	[spmem:s3] =	stream.indirect.scatter.add.f32 @!p0 [tilespmem:s13], [sflag:$0x1], $0x80, s14, s14, $0xb8;
	[tilespmem:$0x18100] =	vst v63  }
0x42: {  	_ =	swait.ge @!p0 [sflag:s15], $0x4000  }
0x43: {  	s4 =	sadd.s32 $0x1, s4;
	[sflag:s15] =	ssyncset.done @!p0 $0x0  }
0x44: {  	[sflag:s15] =	ssyncadd.s32 @!p0 $0xFFFFC000;
	p0 =	sne.s32 s4, s9  }
.Ltmp1:
0x45: {  	[bflag:$0x0] =	sbarrier.arrive $0xFFFF;
	(pc) =	sbr.rel @p0 .LBB2_1-.Ltmp1, $4  }
0x46: {  	[hbm:s8], [sflag:s7] =	dma.local [spmem:s11], $0x2800  }
0x47: {  	_ =	swait.ge [sflag:s12], $0x2800  }
0x48: {  	[sflag:s12] =	ssyncset.done $0x0  }
0x49: {  	[sflag:s12] =	ssyncadd.s32 $0xFFFFD800  }
0x4a: {  	_ =	sfence.sel $0x180000  }
0x4b: {  	[bflag:$0x0] =	sbarrier.arrive $0xFFFF  }
0x4c: {  	p0 =	sne.s32 s0, $0x0;
	_ =	strace $0x9000004A  }
0x4d: {  	s0 =	sadd.s32 @!p0 $0x100000, s2;
	[bflag:$0x2] =	sbarrier.arrive $0xFFFF  }
0x4e: {  	[sflag:s0] =	ssyncadd.tile.s32 @!p0 $0x1;
	_ =	shalt  }
.Lfunc_end2:
_tile_overlayer_lowered:
.L_overlay_start_2:
0x4f: {  	(tag) =	ssettag $0x2  }
0x50: {  	s0 =	rddreg [dreg:$0x0];
	s2 =	stileid.u32  }
0x51: {  	s1 =	rddreg [dreg:$0x1];
	p0 =	sne.s32 s2, $0x0  }
0x52: {  	s3 =	rddreg [dreg:$0x2];
	[bflag:$0x3] =	sbarrier.arrive $0xFFFF;
	s2 =	simm.s32 @!p0 $0x1C01  }
0x53: {  	[timem:s3], [sflag:s2] =	dma.local @!p0 [hbm:s0], s1  }
0x54: {  	s0 =	simm.s32 @!p0 $0x1  }
0x55: {  	_ =	swait.ge @!p0 [sflag:s0], s1  }
0x56: {  	s1 =	ssub.s32 @!p0 $0x0, s1;
	[sflag:s0] =	ssyncset.done @!p0 $0x0  }
0x57: {  	[sflag:s0] =	ssyncadd.s32 @!p0 s1  }
0x58: {  	[bflag:$0x3] =	sbarrier.arrive $0xFFFF  }
0x59: {  	_ =	shalt  }

// kernel: kernel.17.cloned.1.call-start
scs
__scs_entry_jumppad:
0x0: {  	(pc) =	sbr.rel $0x88, $3  }
0x1: {  	(tag) =	ssettag $0x0;
	lr =	simm.s32 $0x1  }
0x2: {  	[smem:$0x3F94] =	sst lr;
	_ =	strace $0xD0000000  }
0x3: {  	_ = 	snop  }
0x4: {  	_ = 	snop  }
0x5: {  	_ = 	snop  }
0x6: {  	_ = 	snop  }
0x7: {  	_ = 	snop  }
__scs_overlays_trampoline_lowered:
0x8: {  	[smem:$0x3FA3] =	sst s0  }
0x9: {  	[smem:$0x3FA4] =	sst s1  }
0xa: {  	[smem:$0x3FA5] =	sst s2  }
0xb: {  	[smem:$0x3FA6] =	sst s3  }
0xc: {  	[smem:$0x3FA7] =	sst s4  }
0xd: {  	[smem:$0x3FA8] =	sst s5  }
0xe: {  	[smem:$0x3FA9] =	sst s6  }
0xf: {  	[smem:$0x3FAA] =	sst s7  }
0x10: {  	[smem:$0x3FAB] =	sst s8  }
0x11: {  	[smem:$0x3FAC] =	sst s9;
	s0 =	simm.s32 @!p0 $0x0  }
0x12: {  	s1 =	sld [smem:$0x3F92];
	s0 =	simm.s32 @p0 $0x1  }
0x13: {  	[smem:$0x3FAD] =	sst s0;
	s0 =	simm.s32 @!p1 $0x0  }
0x14: {  	s2 =	sld [smem:$0x3F91];
	s0 =	simm.s32 @p1 $0x1  }
0x15: {  	[smem:$0x3FAE] =	sst s0;
	s0 =	simm.s32 @!p2 $0x0  }
0x16: {  	s3 =	sld [smem:$0x3FDB];
	s0 =	simm.s32 @p2 $0x1  }
0x17: {  	s4 =	simm.s32 $0x1BF5;
	[smem:$0x3FB0] =	sst s0  }
0x18: {  	s0 =	sld [smem:$0x3F93];
	_ =	swait.ge [sflag:s4], $0x0  }
0x19: {  	s7 =	sld [smem:$0x3F94]  }
0x1a: {  	s8 =	sadd.s32 $0xFFFFE003, lr  }
0x1b: {  	s9 =	sadd.s32 $0xFFFFFEF7, lr;
	s5 =	simm.s32 $0xFFFFFFFF;
	p2 =	slt.u32 s8, $0xFFFFF086  }
0x1c: {  	p1 =	slt.u32 s9, $0xF7A;
	s5 =	simm.s32 @!p2 $0x0  }
0x1d: {  	s5 =	simm.s32 @p1 $0x1;
	p0 =	seq.s32 s7, s2  }
0x1e: {  	s7 =	smul.u32 @!p0 $0xF7A, s2;
	p2 =	seq.s32 @!p0 s5, $0x0  }
0x1f: {  	s9 =	smul.u32 $0xF7A, s1;
	s8 =	simm.s32 @!p0 $0x1BF5;
	p2 =	por !p2, p0  }
0x20: {  	[sflag:s8] =	ssyncset.s32 @!p0 $0xFFFFF086;
	s6 =	sadd.s32 @!p0 s3, s7;
	s7 =	simm.s32 @!p0 $0x108  }
0x21: {  	s3 =	sadd.s32 s3, s9;
	s6 =	sadd.s32 @!p0 $0x88, s6;
	s7 =	simm.s32 @p2 $0x1082  }
0x22: {  	[simem:s7], [sflag:s8] =	dma.local @!p0 [hbm:s6], $0xF7A  }
0x23: {  	s9 =	sor.u32 $0xD0000000, s2;
	s6 =	simm.s32 $0x108;
	_ =	swait.ge @!p0 [sflag:s8], $0x0  }
0x24: {  	s3 =	sadd.s32 $0x88, s3;
	s6 =	simm.s32 @!p1 $0x1082;
	[sflag:s4] =	ssyncset.s32 $0xFFFFF086  }
0x25: {  	[simem:s6], [sflag:s4] =	dma.local [hbm:s3], $0xF7A  }
0x26: {  	[smem:$0x3F94] =	sst s1;
	(tag) =	ssettag s2;
	_ =	strace s9  }
0x27: {  	s1 =	sld [smem:$0x3FA4]  }
0x28: {  	s2 =	sld [smem:$0x3FA5]  }
0x29: {  	s4 =	sld [smem:$0x3FA7]  }
0x2a: {  	p0 =	seq.s32 s5, $0x0;
	s5 =	sld [smem:$0x3FA8]  }
0x2b: {  	s6 =	sld [smem:$0x3FA9]  }
0x2c: {  	s7 =	sld [smem:$0x3FAA]  }
0x2d: {  	s3 =	simm.s32 $0x108;
	s8 =	sld [smem:$0x3FAB]  }
0x2e: {  	s3 =	simm.s32 @!p0 $0x1082;
	s9 =	sld [smem:$0x3FAC]  }
0x2f: {  	lr =	sadd.s32 s0, s3;
	s0 =	sld [smem:$0x3FA3]  }
0x30: {  	s3 =	sld [smem:$0x3FA6]  }
0x31: {  	[smem:$0x3FAF] =	sst s10  }
0x32: {  	s10 =	sld [smem:$0x3FAD];
	_ =	sdelay $0x3  }
0x33: {  	p0 =	seq.s32 s10, $0x1;
	s10 =	sld [smem:$0x3FAF];
	_ =	sdelay $0x3  }
0x34: {  	[smem:$0x3FAF] =	sst s10  }
0x35: {  	s10 =	sld [smem:$0x3FAE];
	_ =	sdelay $0x3  }
0x36: {  	p1 =	seq.s32 s10, $0x1;
	s10 =	sld [smem:$0x3FAF];
	_ =	sdelay $0x3  }
0x37: {  	[smem:$0x3FAF] =	sst s10  }
0x38: {  	s10 =	sld [smem:$0x3FB0]  }
0x39: {  	_ = 	snop;
	(pc) =	sbr.ind lr, $3  }
0x3a: {  	_ = 	snop  }
0x3b: {  	_ = 	snop  }
0x3c: {  	p2 =	seq.s32 s10, $0x1;
	s10 =	sld [smem:$0x3FAF]  }
0x3d: {  	_ =	shalt  }
0x3e: {  	_ =	shalt  }
0x3f: {  	_ =	shalt  }
0x40: {  	_ =	shalt  }
0x41: {  	_ =	shalt  }
0x42: {  	_ =	shalt  }
0x43: {  	_ =	shalt  }
0x44: {  	_ =	shalt  }
0x45: {  	_ =	shalt  }
0x46: {  	_ =	shalt  }
0x47: {  	_ =	shalt  }
0x48: {  	_ =	shalt  }
0x49: {  	_ =	shalt  }
0x4a: {  	_ =	shalt  }
0x4b: {  	_ =	shalt  }
0x4c: {  	_ =	shalt  }
0x4d: {  	_ =	shalt  }
0x4e: {  	_ =	shalt  }
0x4f: {  	_ =	shalt  }
0x50: {  	_ =	shalt  }
0x51: {  	_ =	shalt  }
0x52: {  	_ =	shalt  }
0x53: {  	_ =	shalt  }
0x54: {  	_ =	shalt  }
0x55: {  	_ =	shalt  }
0x56: {  	_ =	shalt  }
0x57: {  	_ =	shalt  }
0x58: {  	_ =	shalt  }
0x59: {  	_ =	shalt  }
0x5a: {  	_ =	shalt  }
0x5b: {  	_ =	shalt  }
0x5c: {  	_ =	shalt  }
0x5d: {  	_ =	shalt  }
0x5e: {  	_ =	shalt  }
0x5f: {  	_ =	shalt  }
0x60: {  	_ =	shalt  }
0x61: {  	_ =	shalt  }
0x62: {  	_ =	shalt  }
0x63: {  	_ =	shalt  }
0x64: {  	_ =	shalt  }
0x65: {  	_ =	shalt  }
0x66: {  	_ =	shalt  }
0x67: {  	_ =	shalt  }
0x68: {  	_ =	shalt  }
0x69: {  	_ =	shalt  }
0x6a: {  	_ =	shalt  }
0x6b: {  	_ =	shalt  }
0x6c: {  	_ =	shalt  }
0x6d: {  	_ =	shalt  }
0x6e: {  	_ =	shalt  }
0x6f: {  	_ =	shalt  }
0x70: {  	_ =	shalt  }
0x71: {  	_ =	shalt  }
0x72: {  	_ =	shalt  }
0x73: {  	_ =	shalt  }
0x74: {  	_ =	shalt  }
0x75: {  	_ =	shalt  }
0x76: {  	_ =	shalt  }
0x77: {  	_ =	shalt  }
0x78: {  	_ =	shalt  }
0x79: {  	_ =	shalt  }
0x7a: {  	_ =	shalt  }
0x7b: {  	_ =	shalt  }
0x7c: {  	_ =	shalt  }
0x7d: {  	_ =	shalt  }
0x7e: {  	_ =	shalt  }
0x7f: {  	_ =	shalt  }
0x80: {  	_ =	shalt  }
0x81: {  	_ =	shalt  }
0x82: {  	_ =	shalt  }
0x83: {  	_ =	shalt  }
0x84: {  	_ =	shalt  }
0x85: {  	_ =	shalt  }
0x86: {  	_ =	shalt  }
0x87: {  	_ =	shalt  }
.Lfunc_end0:
.L_simem_size_0:
called_computation.2_lowered:
.L_overlay_start_0:
0x88: {  	s2 =	sld [smem:$0x3FD9]  }
0x89: {  	s3 =	sld [smem:$0x3FFE];
	_ =	sdelay $0x1  }
0x8a: {  	s1 =	srdreg.scid  }
0x8b: {  	s0 =	sand.u32 $0x1, s1  }
0x8c: {  	s17 =	sshll.u32 s0, $0xA;
	s2 =	sadd.s32 s3, s2  }
0x8d: {  	s2 =	sadd.s32 s2, s17  }
0x8e: {  	[smem:$0x3FBB] =	sst s2  }
0x8f: {  	_ = 	snop  }
0x90: {  	s2 =	sld [smem:$0x3FC8]  }
0x91: {  	s18 =	sld [smem:$0x3FD0];
	(tm) =	ssettm $0x1  }
0x92: {  	s4 =	sld [smem:$0x3FFB];
	_ =	sdelay $0x3  }
0x93: {  	_ =	strace s4  }
0x94: {  	s4 =	sld [smem:$0x3FFC];
	_ =	sdelay $0x3  }
0x95: {  	_ =	strace s4  }
0x96: {  	s4 =	sld [smem:$0x3FFD];
	_ =	sdelay $0x3  }
0x97: {  	_ =	strace s4  }
0x98: {  	_ =	strace $0x8FFFFFFF  }
0x99: {  	s19 =	sld [smem:$0x3FDB];
	_ =	sdelay $0x1  }
0x9a: {  	s5 =	simm.s32 $_scs_section_size  }
0x9b: {  	s6 =	simm.s32 $_size__tile_overlayer_lowered;
	s7 =	simm.s32 $_tile_overlayer_lowered  }
0x9c: {  	s22 =	simm.s32 $0x1BFF;
	s21 =	sshll.u32 s7, $0x1;
	s4 =	sadd.s32 s5, s19  }
0x9d: {  	s8 =	simm.s32 $0x0;
	s20 =	sshll.u32 s6, $0x1;
	s6 =	sadd.s32 s21, s4  }
0x9e: {  	[timem:s8], [sflag:s22] =	dma.local [hbm:s6], s20  }
0x9f: {  	_ =	swait.ge [sflag:s22], s20  }
0xa0: {  	s5 =	ssub.s32 $0x0, s20;
	[sflag:s22] =	ssyncset.done $0x0  }
0xa1: {  	[sflag:s22] =	ssyncadd.s32 s5;
	_ =	sdelay $0x1  }
0xa2: {  	s23 =	simm.s32 $0x1B8B  }
0xa3: {  	_ =	swait.ge [sflag:s23], $0x1  }
0xa4: {  	[sflag:s23] =	ssyncset.done $0x0  }
0xa5: {  	s25 =	simm.s32 $0x1B8E;
	s24 =	sld [smem:$0x3FFE];
	[sflag:s23] =	ssyncadd.s32 $0xFFFFFFFF  }
0xa6: {  	s26 =	simm.s32 $execute0_lowered;
	[smem:$0x3FD2] =	sst s25  }
0xa7: {  	s6 =	sshll.u32 s26, $0x1;
	_ =	strace $0x8000004C;
	[dreg:$0x1] =	wrdreg $0xFFFFFFFF  }
0xa8: {  	s28 =	simm.s32 $_size_execute0_lowered;
	s4 =	sadd.s32 s4, s6;
	[dreg:$0x0] =	wrdreg $0x0  }
0xa9: {  	s6 =	sshll.u32 s28, $0x1;
	[dreg:$0x2] =	wrdreg s4  }
0xaa: {  	[dreg:$0x3] =	wrdreg s6  }
0xab: {  	[dreg:$0x4] =	wrdreg $0xC0  }
0xac: {  	_ =	task [dreg:s8], $0x5FFFF  }
0xad: {  	[dreg:$0x1] =	wrdreg $0xFFFFFFFF  }
0xae: {  	[dreg:$0x0] =	wrdreg $0x60  }
0xaf: {  	[dreg:$0x2] =	wrdreg s2  }
0xb0: {  	[dreg:$0x3] =	wrdreg s18  }
0xb1: {  	[dreg:$0x4] =	wrdreg s24  }
0xb2: {  	[dreg:$0x5] =	wrdreg $0x41000  }
0xb3: {  	[dreg:$0x6] =	wrdreg $0x9  }
0xb4: {  	_ =	task.clear_ibuf [dreg:s8], $0x7FFFF;
	_ =	strace $0x9000004C  }
0xb5: {  	s29 =	simm.s32 $0x9;
	_ =	strace $0x8000004E  }
0xb6: {  	_ =	swait.ge [sflag:s29], $0x1  }
0xb7: {  	[sflag:s29] =	ssyncadd.s32 $0xFFFFFFFF  }
0xb8: {  	_ =	strace $0x9000004E  }
0xb9: {  	_ =	sfence  }
0xba: {  	s30 =	sld [smem:$0x0];
	_ =	sdelay $0x2  }
0xbb: {  	s31 =	sshll.u32 s1, $0xD;
	s1 =	sshrl.u32 s1, $0x2  }
0xbc: {  	s3 =	sand.u32 $0x4000, s31;
	s1 =	sadd.s32 s1, s30  }
0xbd: {  	s0 =	sor.u32 s3, s0;
	s1 =	sshll.u32 s1, $0x11  }
0xbe: {  	s0 =	sor.u32 s1, s0  }
0xbf: {  	s0 =	sadd.s32 $0x8F2B, s0  }
0xc0: {  	[sflag:s0] =	ssyncadd.remote.s32 $0x1  }
0xc1: {  	_ =	sfence.sel $0xFFFF  }
0xc2: {  	[dreg:$0x0] =	wrdreg $0xFFFFFFFF;
	(pc) =	sbr.abs _section_cstart, $3  }
0xc3: {  	[dreg:$0x1] =	wrdreg $0xFFFFFFFF  }
0xc4: {  	_ =	task.clear_ibuf [dreg:s8], $0x2FFFF;
	_ =	strace $0x9FFFFFFF  }
0xc5: {  	(tm) =	ssettm $0x7FFFFFFF  }
tec
execute0_lowered:
.L_overlay_start_1:
0x0: {  	(tag) =	ssettag $0x1  }
0x1: {  	s8 =	rddreg [dreg:$0x0]  }
0x2: {  	s1 =	rddreg [dreg:$0x1]  }
0x3: {  	s5 =	rddreg [dreg:$0x2];
	s0 =	stileid.u32  }
0x4: {  	s2 =	srdreg.scid;
	s3 =	rddreg [dreg:$0x3];
	s4 =	simm.s32 $0x0  }
0x5: {  	s6 =	smul.u32 $0x14000, s0;
	s9 =	sand.u32 $0x1, s2;
	s2 =	rddreg [dreg:$0x4]  }
0x6: {  	[smem:$0x7FF] =	sst s4;
	s11 =	smul.u32 $0x50000, s0  }
0x7: {  	s31 =	sshll.u32 s0, $0x6;
	s7 =	smul.u32 $0x140000, s9;
	_ =	strace $0x8000004D  }
0x8: {  	s28 =	ssub.s32 $0x2, s9;
	s14 =	sshll.u32 s9, $0x5;
	s10 =	sshrl.u32 s6, $0x3  }
0x9: {  	s29 =	sshrl.u32 s28, $0x1;
	s30 =	sshrl.u32 s11, $0x2;
	s6 =	sadd.s32 s6, s7  }
0xa: {  	s10 =	sadd.s32 s10, s5;
	s13 =	ssub.s32 s28, s29;
	s11 =	sadd.s32 s30, s3  }
0xb: {  	s7 =	sor.u32 $0x1C01, s31;
	s6 =	sshrl.u32 s6, $0x3;
	s9 =	smax.u32 s13, $0x1  }
0xc: {  	s12 =	sadd.s32 s6, s5;
	s6 =	sadd.s32 $0x4600, s10;
	s10 =	sadd.s32 s31, s8  }
0xd: {  	s11 =	sshrl.u32 s11, $0x3;
	s5 =	sshll.u32 s0, $0x1;
	s10 =	sadd.s32 s14, s10  }
0xe: {  	s8 =	sadd.s32 $0x53800, s12;
	s12 =	simm.s32 $0x1;
	s10 =	sadd.s32 $0x10, s10  }
.LBB2_1:
0xf: {  	[spmem:s11], [sflag:s7] =	dma.local [hbm:s6], $0x2800  }
0x10: {  	s13 =	sadd.s32 $0x0, s5;
	_ =	swait.ge [sflag:s12], $0x2800  }
0x11: {  	p0 =	sgt.u32 s13, $0x9C3;
	[sflag:s12] =	ssyncset.done $0x0  }
0x12: {  	s13 =	sadd.s32 @!p0 $0xFFFFFFF0, s10;
	[sflag:s12] =	ssyncadd.s32 $0xFFFFD800  }
0x13: {  	s14 =	simm.s32 @!p0 $0x0;
	s15 =	simm.s32 @!p0 $0x2;
	[bflag:$0x0] =	sbarrier.arrive $0xFFFF  }
0x14: {  	[tilespmem:s14], [sflag:$0x2] =	stream.linear.gather @!p0 [hbm4b:s13+s14], $0x80, $0x38;
	[tilespmem:$0x18100] =	vst v63  }
0x15: {  	_ =	swait.ge @!p0 [sflag:s15], $0x80;
	p0 =	por p0, p0  }
0x16: {  	[sflag:s15] =	ssyncset.done @!p0 $0x0  }
0x17: {  	s13 =	simm.s32 @!p0 $0x80;
	[sflag:s15] =	ssyncadd.s32 @!p0 $0xFFFFFF80  }
0x18: {  	[tilespmem:s13], [sflag:$0x2] =	stream.linear.gather @!p0 [hbm4b:s10+s14], $0x80, $0x38;
	[tilespmem:$0x18100] =	vst v63  }
0x19: {  	_ =	swait.ge @!p0 [sflag:s15], $0x80  }
0x1a: {  	[sflag:s15] =	ssyncset.done @!p0 $0x0  }
0x1b: {  	s16 =	simm.s32 @!p0 $0x100;
	[sflag:s15] =	ssyncadd.s32 @!p0 $0xFFFFFF80  }
0x1c: {  	[tilespmem:s16], [sflag:$0x2] =	stream.indirect.gather @!p0 [hbm4b:s1+s13], $0x80, s14, s13, $0xb8;
	[tilespmem:$0x18100] =	vst v63  }
0x1d: {  	_ =	swait.ge @!p0 [sflag:s15], $0x4000  }
0x1e: {  	s31 =	sadd.s32 $0x20, s5;
	[sflag:s15] =	ssyncset.done @!p0 $0x0  }
0x1f: {  	p2 =	sgt.u32 s31, $0x9C3;
	[sflag:s15] =	ssyncadd.s32 @!p0 $0xFFFFC000;
	s15 =	simm.s32 @!p0 $0x1  }
0x20: {  	[spmem:s3] =	stream.indirect.scatter.add.f32 @!p0 [tilespmem:s16], [sflag:$0x1], $0x80, s13, s13, $0xb8;
	[tilespmem:$0x18100] =	vst v63  }
0x21: {  	s14 =	simm.s32 $0x40;
	s13 =	sadd.s32 $0x400, s10;
	_ =	swait.ge @!p0 [sflag:s15], $0x4000  }
.LBB2_2:
0x22: {  	s16 =	sadd.s32 @!p2 $0xFFFFFFF0, s13  }
0x23: {  	s17 =	simm.s32 @!p2 $0x0;
	[sflag:s15] =	ssyncset.done @!p0 $0x0;
	s18 =	smov.u32 s14  }
0x24: {  	s14 =	sadd.s32 $0x20, s14;
	s19 =	simm.s32 @!p2 $0x2;
	[sflag:s15] =	ssyncadd.s32 @!p0 $0xFFFFC000  }
0x25: {  	[tilespmem:s17], [sflag:$0x2] =	stream.linear.gather @!p2 [hbm4b:s16+s17], $0x80, $0x38;
	[tilespmem:$0x18100] =	vst v63  }
0x26: {  	p1 =	sne.s32 s14, $0x9E0;
	p0 =	por p2, p2;
	_ =	swait.ge @!p2 [sflag:s19], $0x80  }
0x27: {  	[sflag:s19] =	ssyncset.done @!p0 $0x0  }
0x28: {  	s16 =	simm.s32 @!p0 $0x80;
	[sflag:s19] =	ssyncadd.s32 @!p0 $0xFFFFFF80  }
0x29: {  	[tilespmem:s16], [sflag:$0x2] =	stream.linear.gather @!p0 [hbm4b:s13+s17], $0x80, $0x38;
	[tilespmem:$0x18100] =	vst v63  }
0x2a: {  	_ =	swait.ge @!p0 [sflag:s19], $0x80  }
0x2b: {  	[sflag:s19] =	ssyncset.done @!p0 $0x0  }
0x2c: {  	s20 =	simm.s32 @!p0 $0x100;
	[sflag:s19] =	ssyncadd.s32 @!p0 $0xFFFFFF80  }
0x2d: {  	[tilespmem:s20], [sflag:$0x2] =	stream.indirect.gather @!p0 [hbm4b:s1+s16], $0x80, s17, s16, $0xb8;
	[tilespmem:$0x18100] =	vst v63  }
.Ltmp0:
0x2e: {  	_ =	swait.ge @!p0 [sflag:s19], $0x4000;
	(pc) =	sbr.rel @p1 .LBB2_2-.Ltmp0, $4  }
0x2f: {  	[sflag:s19] =	ssyncset.done @!p0 $0x0  }
0x30: {  	s15 =	simm.s32 @!p0 $0x1;
	s17 =	sadd.s32 s18, s5;
	[sflag:s19] =	ssyncadd.s32 @!p0 $0xFFFFC000  }
0x31: {  	[spmem:s3] =	stream.indirect.scatter.add.f32 @!p0 [tilespmem:s20], [sflag:$0x1], $0x80, s16, s16, $0xb8;
	[tilespmem:$0x18100] =	vst v63  }
0x32: {  	s13 =	sadd.s32 $0x400, s13;
	p2 =	sgt.u32 s17, $0x9C3;
	_ =	swait.ge @!p0 [sflag:s15], $0x4000  }
0x33: {  	s14 =	sadd.s32 @!p2 $0xFFFFFFF0, s13;
	[sflag:s15] =	ssyncset.done @!p0 $0x0  }
0x34: {  	s16 =	simm.s32 @!p2 $0x0;
	s17 =	simm.s32 @!p2 $0x2;
	[sflag:s15] =	ssyncadd.s32 @!p0 $0xFFFFC000  }
0x35: {  	[tilespmem:s16], [sflag:$0x2] =	stream.linear.gather @!p2 [hbm4b:s14+s16], $0x80, $0x38;
	[tilespmem:$0x18100] =	vst v63  }
0x36: {  	p0 =	por p2, p2;
	_ =	swait.ge @!p2 [sflag:s17], $0x80  }
0x37: {  	[sflag:s17] =	ssyncset.done @!p0 $0x0  }
0x38: {  	s14 =	simm.s32 @!p0 $0x80;
	[sflag:s17] =	ssyncadd.s32 @!p0 $0xFFFFFF80  }
0x39: {  	[tilespmem:s14], [sflag:$0x2] =	stream.linear.gather @!p0 [hbm4b:s13+s16], $0x80, $0x38;
	[tilespmem:$0x18100] =	vst v63  }
0x3a: {  	_ =	swait.ge @!p0 [sflag:s17], $0x80  }
0x3b: {  	[sflag:s17] =	ssyncset.done @!p0 $0x0  }
0x3c: {  	s13 =	simm.s32 @!p0 $0x100;
	[sflag:s17] =	ssyncadd.s32 @!p0 $0xFFFFFF80  }
0x3d: {  	[tilespmem:s13], [sflag:$0x2] =	stream.indirect.gather @!p0 [hbm4b:s1+s14], $0x80, s16, s14, $0xb8;
	[tilespmem:$0x18100] =	vst v63  }
0x3e: {  	_ =	swait.ge @!p0 [sflag:s17], $0x4000  }
0x3f: {  	[sflag:s17] =	ssyncset.done @!p0 $0x0  }
0x40: {  	s15 =	simm.s32 @!p0 $0x1;
	[sflag:s17] =	ssyncadd.s32 @!p0 $0xFFFFC000  }
0x41: {  	[spmem:s3] =	stream.indirect.scatter.add.f32 @!p0 [tilespmem:s13], [sflag:$0x1], $0x80, s14, s14, $0xb8;
	[tilespmem:$0x18100] =	vst v63  }
0x42: {  	_ =	swait.ge @!p0 [sflag:s15], $0x4000  }
0x43: {  	s4 =	sadd.s32 $0x1, s4;
	[sflag:s15] =	ssyncset.done @!p0 $0x0  }
0x44: {  	[sflag:s15] =	ssyncadd.s32 @!p0 $0xFFFFC000;
	p0 =	sne.s32 s4, s9  }
.Ltmp1:
0x45: {  	[bflag:$0x0] =	sbarrier.arrive $0xFFFF;
	(pc) =	sbr.rel @p0 .LBB2_1-.Ltmp1, $4  }
0x46: {  	[hbm:s8], [sflag:s7] =	dma.local [spmem:s11], $0x2800  }
0x47: {  	_ =	swait.ge [sflag:s12], $0x2800  }
0x48: {  	[sflag:s12] =	ssyncset.done $0x0  }
0x49: {  	[sflag:s12] =	ssyncadd.s32 $0xFFFFD800  }
0x4a: {  	_ =	sfence.sel $0x180000  }
0x4b: {  	[bflag:$0x0] =	sbarrier.arrive $0xFFFF  }
0x4c: {  	p0 =	sne.s32 s0, $0x0;
	_ =	strace $0x9000004D  }
0x4d: {  	s0 =	sadd.s32 @!p0 $0x100000, s2;
	[bflag:$0x2] =	sbarrier.arrive $0xFFFF  }
0x4e: {  	[sflag:s0] =	ssyncadd.tile.s32 @!p0 $0x1;
	_ =	shalt  }
.Lfunc_end2:
_tile_overlayer_lowered:
.L_overlay_start_2:
0x4f: {  	(tag) =	ssettag $0x2  }
0x50: {  	s0 =	rddreg [dreg:$0x0];
	s2 =	stileid.u32  }
0x51: {  	s1 =	rddreg [dreg:$0x1];
	p0 =	sne.s32 s2, $0x0  }
0x52: {  	s3 =	rddreg [dreg:$0x2];
	[bflag:$0x3] =	sbarrier.arrive $0xFFFF;
	s2 =	simm.s32 @!p0 $0x1C01  }
0x53: {  	[timem:s3], [sflag:s2] =	dma.local @!p0 [hbm:s0], s1  }
0x54: {  	s0 =	simm.s32 @!p0 $0x1  }
0x55: {  	_ =	swait.ge @!p0 [sflag:s0], s1  }
0x56: {  	s1 =	ssub.s32 @!p0 $0x0, s1;
	[sflag:s0] =	ssyncset.done @!p0 $0x0  }
0x57: {  	[sflag:s0] =	ssyncadd.s32 @!p0 s1  }
0x58: {  	[bflag:$0x3] =	sbarrier.arrive $0xFFFF  }
0x59: {  	_ =	shalt  }

// kernel: kernel.20.cloned.1.call-start
scs
__scs_entry_jumppad:
0x0: {  	(pc) =	sbr.rel $0x88, $3  }
0x1: {  	(tag) =	ssettag $0x0;
	lr =	simm.s32 $0x1  }
0x2: {  	[smem:$0x3F94] =	sst lr;
	_ =	strace $0xD0000000  }
0x3: {  	_ = 	snop  }
0x4: {  	_ = 	snop  }
0x5: {  	_ = 	snop  }
0x6: {  	_ = 	snop  }
0x7: {  	_ = 	snop  }
__scs_overlays_trampoline_lowered:
0x8: {  	[smem:$0x3FA3] =	sst s0  }
0x9: {  	[smem:$0x3FA4] =	sst s1  }
0xa: {  	[smem:$0x3FA5] =	sst s2  }
0xb: {  	[smem:$0x3FA6] =	sst s3  }
0xc: {  	[smem:$0x3FA7] =	sst s4  }
0xd: {  	[smem:$0x3FA8] =	sst s5  }
0xe: {  	[smem:$0x3FA9] =	sst s6  }
0xf: {  	[smem:$0x3FAA] =	sst s7  }
0x10: {  	[smem:$0x3FAB] =	sst s8  }
0x11: {  	[smem:$0x3FAC] =	sst s9;
	s0 =	simm.s32 @!p0 $0x0  }
0x12: {  	s1 =	sld [smem:$0x3F92];
	s0 =	simm.s32 @p0 $0x1  }
0x13: {  	[smem:$0x3FAD] =	sst s0;
	s0 =	simm.s32 @!p1 $0x0  }
0x14: {  	s2 =	sld [smem:$0x3F91];
	s0 =	simm.s32 @p1 $0x1  }
0x15: {  	[smem:$0x3FAE] =	sst s0;
	s0 =	simm.s32 @!p2 $0x0  }
0x16: {  	s3 =	sld [smem:$0x3FDB];
	s0 =	simm.s32 @p2 $0x1  }
0x17: {  	s4 =	simm.s32 $0x1BF5;
	[smem:$0x3FB0] =	sst s0  }
0x18: {  	s0 =	sld [smem:$0x3F93];
	_ =	swait.ge [sflag:s4], $0x0  }
0x19: {  	s7 =	sld [smem:$0x3F94]  }
0x1a: {  	s8 =	sadd.s32 $0xFFFFE003, lr  }
0x1b: {  	s9 =	sadd.s32 $0xFFFFFEF7, lr;
	s5 =	simm.s32 $0xFFFFFFFF;
	p2 =	slt.u32 s8, $0xFFFFF086  }
0x1c: {  	p1 =	slt.u32 s9, $0xF7A;
	s5 =	simm.s32 @!p2 $0x0  }
0x1d: {  	s5 =	simm.s32 @p1 $0x1;
	p0 =	seq.s32 s7, s2  }
0x1e: {  	s7 =	smul.u32 @!p0 $0xF7A, s2;
	p2 =	seq.s32 @!p0 s5, $0x0  }
0x1f: {  	s9 =	smul.u32 $0xF7A, s1;
	s8 =	simm.s32 @!p0 $0x1BF5;
	p2 =	por !p2, p0  }
0x20: {  	[sflag:s8] =	ssyncset.s32 @!p0 $0xFFFFF086;
	s6 =	sadd.s32 @!p0 s3, s7;
	s7 =	simm.s32 @!p0 $0x108  }
0x21: {  	s3 =	sadd.s32 s3, s9;
	s6 =	sadd.s32 @!p0 $0x88, s6;
	s7 =	simm.s32 @p2 $0x1082  }
0x22: {  	[simem:s7], [sflag:s8] =	dma.local @!p0 [hbm:s6], $0xF7A  }
0x23: {  	s9 =	sor.u32 $0xD0000000, s2;
	s6 =	simm.s32 $0x108;
	_ =	swait.ge @!p0 [sflag:s8], $0x0  }
0x24: {  	s3 =	sadd.s32 $0x88, s3;
	s6 =	simm.s32 @!p1 $0x1082;
	[sflag:s4] =	ssyncset.s32 $0xFFFFF086  }
0x25: {  	[simem:s6], [sflag:s4] =	dma.local [hbm:s3], $0xF7A  }
0x26: {  	[smem:$0x3F94] =	sst s1;
	(tag) =	ssettag s2;
	_ =	strace s9  }
0x27: {  	s1 =	sld [smem:$0x3FA4]  }
0x28: {  	s2 =	sld [smem:$0x3FA5]  }
0x29: {  	s4 =	sld [smem:$0x3FA7]  }
0x2a: {  	p0 =	seq.s32 s5, $0x0;
	s5 =	sld [smem:$0x3FA8]  }
0x2b: {  	s6 =	sld [smem:$0x3FA9]  }
0x2c: {  	s7 =	sld [smem:$0x3FAA]  }
0x2d: {  	s3 =	simm.s32 $0x108;
	s8 =	sld [smem:$0x3FAB]  }
0x2e: {  	s3 =	simm.s32 @!p0 $0x1082;
	s9 =	sld [smem:$0x3FAC]  }
0x2f: {  	lr =	sadd.s32 s0, s3;
	s0 =	sld [smem:$0x3FA3]  }
0x30: {  	s3 =	sld [smem:$0x3FA6]  }
0x31: {  	[smem:$0x3FAF] =	sst s10  }
0x32: {  	s10 =	sld [smem:$0x3FAD];
	_ =	sdelay $0x3  }
0x33: {  	p0 =	seq.s32 s10, $0x1;
	s10 =	sld [smem:$0x3FAF];
	_ =	sdelay $0x3  }
0x34: {  	[smem:$0x3FAF] =	sst s10  }
0x35: {  	s10 =	sld [smem:$0x3FAE];
	_ =	sdelay $0x3  }
0x36: {  	p1 =	seq.s32 s10, $0x1;
	s10 =	sld [smem:$0x3FAF];
	_ =	sdelay $0x3  }
0x37: {  	[smem:$0x3FAF] =	sst s10  }
0x38: {  	s10 =	sld [smem:$0x3FB0]  }
0x39: {  	_ = 	snop;
	(pc) =	sbr.ind lr, $3  }
0x3a: {  	_ = 	snop  }
0x3b: {  	_ = 	snop  }
0x3c: {  	p2 =	seq.s32 s10, $0x1;
	s10 =	sld [smem:$0x3FAF]  }
0x3d: {  	_ =	shalt  }
0x3e: {  	_ =	shalt  }
0x3f: {  	_ =	shalt  }
0x40: {  	_ =	shalt  }
0x41: {  	_ =	shalt  }
0x42: {  	_ =	shalt  }
0x43: {  	_ =	shalt  }
0x44: {  	_ =	shalt  }
0x45: {  	_ =	shalt  }
0x46: {  	_ =	shalt  }
0x47: {  	_ =	shalt  }
0x48: {  	_ =	shalt  }
0x49: {  	_ =	shalt  }
0x4a: {  	_ =	shalt  }
0x4b: {  	_ =	shalt  }
0x4c: {  	_ =	shalt  }
0x4d: {  	_ =	shalt  }
0x4e: {  	_ =	shalt  }
0x4f: {  	_ =	shalt  }
0x50: {  	_ =	shalt  }
0x51: {  	_ =	shalt  }
0x52: {  	_ =	shalt  }
0x53: {  	_ =	shalt  }
0x54: {  	_ =	shalt  }
0x55: {  	_ =	shalt  }
0x56: {  	_ =	shalt  }
0x57: {  	_ =	shalt  }
0x58: {  	_ =	shalt  }
0x59: {  	_ =	shalt  }
0x5a: {  	_ =	shalt  }
0x5b: {  	_ =	shalt  }
0x5c: {  	_ =	shalt  }
0x5d: {  	_ =	shalt  }
0x5e: {  	_ =	shalt  }
0x5f: {  	_ =	shalt  }
0x60: {  	_ =	shalt  }
0x61: {  	_ =	shalt  }
0x62: {  	_ =	shalt  }
0x63: {  	_ =	shalt  }
0x64: {  	_ =	shalt  }
0x65: {  	_ =	shalt  }
0x66: {  	_ =	shalt  }
0x67: {  	_ =	shalt  }
0x68: {  	_ =	shalt  }
0x69: {  	_ =	shalt  }
0x6a: {  	_ =	shalt  }
0x6b: {  	_ =	shalt  }
0x6c: {  	_ =	shalt  }
0x6d: {  	_ =	shalt  }
0x6e: {  	_ =	shalt  }
0x6f: {  	_ =	shalt  }
0x70: {  	_ =	shalt  }
0x71: {  	_ =	shalt  }
0x72: {  	_ =	shalt  }
0x73: {  	_ =	shalt  }
0x74: {  	_ =	shalt  }
0x75: {  	_ =	shalt  }
0x76: {  	_ =	shalt  }
0x77: {  	_ =	shalt  }
0x78: {  	_ =	shalt  }
0x79: {  	_ =	shalt  }
0x7a: {  	_ =	shalt  }
0x7b: {  	_ =	shalt  }
0x7c: {  	_ =	shalt  }
0x7d: {  	_ =	shalt  }
0x7e: {  	_ =	shalt  }
0x7f: {  	_ =	shalt  }
0x80: {  	_ =	shalt  }
0x81: {  	_ =	shalt  }
0x82: {  	_ =	shalt  }
0x83: {  	_ =	shalt  }
0x84: {  	_ =	shalt  }
0x85: {  	_ =	shalt  }
0x86: {  	_ =	shalt  }
0x87: {  	_ =	shalt  }
.Lfunc_end0:
.L_simem_size_0:
called_computation.3_lowered:
.L_overlay_start_0:
0x88: {  	s2 =	sld [smem:$0x3FD9]  }
0x89: {  	s3 =	sld [smem:$0x3FFE];
	_ =	sdelay $0x1  }
0x8a: {  	s1 =	srdreg.scid  }
0x8b: {  	s0 =	sand.u32 $0x1, s1  }
0x8c: {  	s17 =	sshll.u32 s0, $0xA;
	s2 =	sadd.s32 s3, s2  }
0x8d: {  	s2 =	sadd.s32 s2, s17  }
0x8e: {  	[smem:$0x3FBB] =	sst s2  }
0x8f: {  	_ = 	snop  }
0x90: {  	s18 =	sld [smem:$0x3FC8];
	(tm) =	ssettm $0x1  }
0x91: {  	s19 =	sld [smem:$0x3FFB];
	_ =	sdelay $0x3  }
0x92: {  	_ =	strace s19  }
0x93: {  	s2 =	sld [smem:$0x3FFC];
	_ =	sdelay $0x3  }
0x94: {  	_ =	strace s2  }
0x95: {  	s2 =	sld [smem:$0x3FFD];
	_ =	sdelay $0x3  }
0x96: {  	_ =	strace s2  }
0x97: {  	_ =	strace $0x8FFFFFFF  }
0x98: {  	s20 =	sld [smem:$0x3FDB];
	_ =	sdelay $0x1  }
0x99: {  	s4 =	simm.s32 $_scs_section_size  }
0x9a: {  	s5 =	simm.s32 $_size__tile_overlayer_lowered;
	s6 =	simm.s32 $_tile_overlayer_lowered  }
0x9b: {  	s7 =	simm.s32 $0x1BFF;
	s21 =	sshll.u32 s6, $0x1;
	s4 =	sadd.s32 s4, s20  }
0x9c: {  	s22 =	simm.s32 $0x0;
	s5 =	sshll.u32 s5, $0x1;
	s6 =	sadd.s32 s21, s4  }
0x9d: {  	[timem:s22], [sflag:s7] =	dma.local [hbm:s6], s5  }
0x9e: {  	_ =	swait.ge [sflag:s7], s5  }
0x9f: {  	s5 =	ssub.s32 $0x0, s5;
	[sflag:s7] =	ssyncset.done $0x0  }
0xa0: {  	[sflag:s7] =	ssyncadd.s32 s5;
	_ =	sdelay $0x1  }
0xa1: {  	s23 =	simm.s32 $0x1B8B  }
0xa2: {  	_ =	swait.ge [sflag:s23], $0x1  }
0xa3: {  	[sflag:s23] =	ssyncset.done $0x0  }
0xa4: {  	[sflag:s23] =	ssyncadd.s32 $0xFFFFFFFF  }
0xa5: {  	s5 =	sld [smem:$0x0]  }
0xa6: {  	s6 =	sand.u32 $0xFFFFFFFE, s1  }
0xa7: {  	p0 =	sne.s32 s1, s6  }
0xa8: {  	s6 =	sshll.u32 @p0 s6, $0xE  }
0xa9: {  	s6 =	sadd.s32 @p0 $0x11B8D, s6;
	s7 =	sshll.u32 @p0 s5, $0x11  }
0xaa: {  	s6 =	sor.u32 @p0 s7, s6  }
0xab: {  	[sflag:s6] =	ssyncadd.remote.s32 @p0 $0x1;
	_ =	sdelay $0x1  }
0xac: {  	s6 =	simm.s32 @p0 $0x1B8D  }
0xad: {  	_ =	swait.eq @p0 [sflag:s6], $0x1  }
0xae: {  	[sflag:s6] =	ssyncadd.s32 @p0 $0xFFFFFFFF  }
0xaf: {  	s7 =	sshll.u32 @!p0 s1, $0xE  }
0xb0: {  	s7 =	sor.u32 @!p0 $0x4000, s7;
	s6 =	simm.s32 @!p0 $0x1B8D  }
0xb1: {  	s5 =	sshll.u32 @!p0 s5, $0x11;
	s7 =	sadd.s32 @!p0 $0x11B8D, s7;
	_ =	swait.eq @!p0 [sflag:s6], $0x1  }
0xb2: {  	s5 =	sor.u32 @!p0 s5, s7;
	[sflag:s6] =	ssyncadd.s32 @!p0 $0xFFFFFFFF  }
0xb3: {  	s25 =	simm.s32 $0x1B8E;
	s24 =	sld [smem:$0x3FFE];
	[sflag:s5] =	ssyncadd.remote.s32 @!p0 $0x1  }
0xb4: {  	s26 =	simm.s32 $execute0_lowered;
	[smem:$0x3FD2] =	sst s25  }
0xb5: {  	s6 =	sshll.u32 s26, $0x1;
	_ =	strace $0x8000004F;
	[dreg:$0x1] =	wrdreg $0xFFFFFFFF  }
0xb6: {  	s28 =	simm.s32 $_size_execute0_lowered;
	s4 =	sadd.s32 s4, s6;
	[dreg:$0x0] =	wrdreg $0x0  }
0xb7: {  	s6 =	sshll.u32 s28, $0x1;
	[dreg:$0x2] =	wrdreg s4  }
0xb8: {  	[dreg:$0x3] =	wrdreg s6  }
0xb9: {  	[dreg:$0x4] =	wrdreg $0xC0  }
0xba: {  	_ =	task [dreg:s22], $0x5FFFF  }
0xbb: {  	[dreg:$0x1] =	wrdreg $0xFFFFFFFF  }
0xbc: {  	[dreg:$0x0] =	wrdreg $0x60  }
0xbd: {  	[dreg:$0x2] =	wrdreg s18  }
0xbe: {  	[dreg:$0x3] =	wrdreg s24  }
0xbf: {  	[dreg:$0x4] =	wrdreg $0x41000  }
0xc0: {  	[dreg:$0x5] =	wrdreg $0xA  }
0xc1: {  	_ =	task.clear_ibuf [dreg:s22], $0x6FFFF;
	_ =	strace $0x9000004F  }
0xc2: {  	s29 =	simm.s32 $0xA;
	_ =	strace $0x80000051  }
0xc3: {  	_ =	swait.ge [sflag:s29], $0x1  }
0xc4: {  	[sflag:s29] =	ssyncadd.s32 $0xFFFFFFFF  }
0xc5: {  	_ =	strace $0x90000051  }
0xc6: {  	_ =	sfence  }
0xc7: {  	s30 =	sld [smem:$0x0];
	_ =	sdelay $0x2  }
0xc8: {  	s31 =	sshll.u32 s1, $0xD;
	s1 =	sshrl.u32 s1, $0x2  }
0xc9: {  	s4 =	sand.u32 $0x4000, s31;
	s1 =	sadd.s32 s1, s30  }
0xca: {  	s0 =	sor.u32 s4, s0;
	s1 =	sshll.u32 s1, $0x11  }
0xcb: {  	s0 =	sor.u32 s1, s0  }
0xcc: {  	s0 =	sadd.s32 $0x8F2B, s0  }
0xcd: {  	[sflag:s0] =	ssyncadd.remote.s32 $0x1  }
0xce: {  	_ =	sfence.sel $0xFFFF  }
0xcf: {  	[dreg:$0x0] =	wrdreg $0xFFFFFFFF;
	(pc) =	sbr.abs _section_cstart, $3  }
0xd0: {  	[dreg:$0x1] =	wrdreg $0xFFFFFFFF  }
0xd1: {  	_ =	task.clear_ibuf [dreg:s22], $0x2FFFF;
	_ =	strace $0x9FFFFFFF  }
0xd2: {  	(tm) =	ssettm $0x7FFFFFFF  }
0xd3: {  	_ =	shalt  }
tec
execute0_lowered:
.L_overlay_start_1:
0x0: {  	(tag) =	ssettag $0x1  }
0x1: {  	s8 =	rddreg [dreg:$0x0]  }
0x2: {  	s5 =	rddreg [dreg:$0x1]  }
0x3: {  	s2 =	rddreg [dreg:$0x2]  }
0x4: {  	s0 =	rddreg [dreg:$0x3]  }
0x5: {  	s1 =	stileid.u32;
	s4 =	srdreg.scid  }
0x6: {  	s3 =	simm.s32 $0x0;
	s6 =	smul.u32 $0x14000, s1;
	s9 =	sand.u32 $0x1, s4  }
0x7: {  	[smem:$0x7FF] =	sst s3;
	s4 =	sadd.s32 $0x2C600, s5;
	s11 =	smul.u32 $0x50000, s1  }
0x8: {  	s31 =	sshll.u32 s1, $0x6;
	s7 =	smul.u32 $0x140000, s9;
	_ =	strace $0x80000050  }
0x9: {  	s28 =	ssub.s32 $0x2, s9;
	s14 =	sshll.u32 s9, $0x5;
	s10 =	sshrl.u32 s6, $0x3  }
0xa: {  	s29 =	sshrl.u32 s28, $0x1;
	s30 =	sshrl.u32 s11, $0x2;
	s6 =	sadd.s32 s6, s7  }
0xb: {  	s10 =	sadd.s32 s10, s5;
	s13 =	ssub.s32 s28, s29;
	s11 =	sadd.s32 s30, s2  }
0xc: {  	s7 =	sor.u32 $0x1C01, s31;
	s6 =	sshrl.u32 s6, $0x3;
	s9 =	smax.u32 s13, $0x1  }
0xd: {  	s12 =	sadd.s32 s6, s5;
	s6 =	sadd.s32 $0x4600, s10;
	s10 =	sadd.s32 s31, s8  }
0xe: {  	s11 =	sshrl.u32 s11, $0x3;
	s5 =	sshll.u32 s1, $0x1;
	s10 =	sadd.s32 s14, s10  }
0xf: {  	s8 =	sadd.s32 $0xA3800, s12;
	s12 =	simm.s32 $0x1;
	s10 =	sadd.s32 $0x10, s10  }
.LBB2_1:
0x10: {  	[spmem:s11], [sflag:s7] =	dma.local [hbm:s6], $0x2800  }
0x11: {  	s13 =	sadd.s32 $0x0, s5;
	_ =	swait.ge [sflag:s12], $0x2800  }
0x12: {  	p0 =	sgt.u32 s13, $0x9C3;
	[sflag:s12] =	ssyncset.done $0x0  }
0x13: {  	s13 =	sadd.s32 @!p0 $0xFFFFFFF0, s10;
	[sflag:s12] =	ssyncadd.s32 $0xFFFFD800  }
0x14: {  	s14 =	simm.s32 @!p0 $0x0;
	s15 =	simm.s32 @!p0 $0x2;
	[bflag:$0x0] =	sbarrier.arrive $0xFFFF  }
0x15: {  	[tilespmem:s14], [sflag:$0x2] =	stream.linear.gather @!p0 [hbm4b:s13+s14], $0x80, $0x38;
	[tilespmem:$0x18100] =	vst v63  }
0x16: {  	_ =	swait.ge @!p0 [sflag:s15], $0x80;
	p0 =	por p0, p0  }
0x17: {  	[sflag:s15] =	ssyncset.done @!p0 $0x0  }
0x18: {  	s13 =	simm.s32 @!p0 $0x80;
	[sflag:s15] =	ssyncadd.s32 @!p0 $0xFFFFFF80  }
0x19: {  	[tilespmem:s13], [sflag:$0x2] =	stream.linear.gather @!p0 [hbm4b:s10+s14], $0x80, $0x38;
	[tilespmem:$0x18100] =	vst v63  }
0x1a: {  	_ =	swait.ge @!p0 [sflag:s15], $0x80  }
0x1b: {  	[sflag:s15] =	ssyncset.done @!p0 $0x0  }
0x1c: {  	s16 =	simm.s32 @!p0 $0x100;
	[sflag:s15] =	ssyncadd.s32 @!p0 $0xFFFFFF80  }
0x1d: {  	[tilespmem:s16], [sflag:$0x2] =	stream.indirect.gather @!p0 [hbm4b:s4+s13], $0x80, s14, s13, $0xb8;
	[tilespmem:$0x18100] =	vst v63  }
0x1e: {  	_ =	swait.ge @!p0 [sflag:s15], $0x4000  }
0x1f: {  	s31 =	sadd.s32 $0x20, s5;
	[sflag:s15] =	ssyncset.done @!p0 $0x0  }
0x20: {  	p2 =	sgt.u32 s31, $0x9C3;
	[sflag:s15] =	ssyncadd.s32 @!p0 $0xFFFFC000;
	s15 =	simm.s32 @!p0 $0x1  }
0x21: {  	[spmem:s2] =	stream.indirect.scatter.add.f32 @!p0 [tilespmem:s16], [sflag:$0x1], $0x80, s13, s13, $0xb8;
	[tilespmem:$0x18100] =	vst v63  }
0x22: {  	s14 =	simm.s32 $0x40;
	s13 =	sadd.s32 $0x400, s10;
	_ =	swait.ge @!p0 [sflag:s15], $0x4000  }
.LBB2_2:
0x23: {  	s16 =	sadd.s32 @!p2 $0xFFFFFFF0, s13  }
0x24: {  	s17 =	simm.s32 @!p2 $0x0;
	[sflag:s15] =	ssyncset.done @!p0 $0x0;
	s18 =	smov.u32 s14  }
0x25: {  	s14 =	sadd.s32 $0x20, s14;
	s19 =	simm.s32 @!p2 $0x2;
	[sflag:s15] =	ssyncadd.s32 @!p0 $0xFFFFC000  }
0x26: {  	[tilespmem:s17], [sflag:$0x2] =	stream.linear.gather @!p2 [hbm4b:s16+s17], $0x80, $0x38;
	[tilespmem:$0x18100] =	vst v63  }
0x27: {  	p1 =	sne.s32 s14, $0x9E0;
	p0 =	por p2, p2;
	_ =	swait.ge @!p2 [sflag:s19], $0x80  }
0x28: {  	[sflag:s19] =	ssyncset.done @!p0 $0x0  }
0x29: {  	s16 =	simm.s32 @!p0 $0x80;
	[sflag:s19] =	ssyncadd.s32 @!p0 $0xFFFFFF80  }
0x2a: {  	[tilespmem:s16], [sflag:$0x2] =	stream.linear.gather @!p0 [hbm4b:s13+s17], $0x80, $0x38;
	[tilespmem:$0x18100] =	vst v63  }
0x2b: {  	_ =	swait.ge @!p0 [sflag:s19], $0x80  }
0x2c: {  	[sflag:s19] =	ssyncset.done @!p0 $0x0  }
0x2d: {  	s20 =	simm.s32 @!p0 $0x100;
	[sflag:s19] =	ssyncadd.s32 @!p0 $0xFFFFFF80  }
0x2e: {  	[tilespmem:s20], [sflag:$0x2] =	stream.indirect.gather @!p0 [hbm4b:s4+s16], $0x80, s17, s16, $0xb8;
	[tilespmem:$0x18100] =	vst v63  }
.Ltmp0:
0x2f: {  	_ =	swait.ge @!p0 [sflag:s19], $0x4000;
	(pc) =	sbr.rel @p1 .LBB2_2-.Ltmp0, $4  }
0x30: {  	[sflag:s19] =	ssyncset.done @!p0 $0x0  }
0x31: {  	s15 =	simm.s32 @!p0 $0x1;
	s17 =	sadd.s32 s18, s5;
	[sflag:s19] =	ssyncadd.s32 @!p0 $0xFFFFC000  }
0x32: {  	[spmem:s2] =	stream.indirect.scatter.add.f32 @!p0 [tilespmem:s20], [sflag:$0x1], $0x80, s16, s16, $0xb8;
	[tilespmem:$0x18100] =	vst v63  }
0x33: {  	s13 =	sadd.s32 $0x400, s13;
	p2 =	sgt.u32 s17, $0x9C3;
	_ =	swait.ge @!p0 [sflag:s15], $0x4000  }
0x34: {  	s14 =	sadd.s32 @!p2 $0xFFFFFFF0, s13;
	[sflag:s15] =	ssyncset.done @!p0 $0x0  }
0x35: {  	s16 =	simm.s32 @!p2 $0x0;
	s17 =	simm.s32 @!p2 $0x2;
	[sflag:s15] =	ssyncadd.s32 @!p0 $0xFFFFC000  }
0x36: {  	[tilespmem:s16], [sflag:$0x2] =	stream.linear.gather @!p2 [hbm4b:s14+s16], $0x80, $0x38;
	[tilespmem:$0x18100] =	vst v63  }
0x37: {  	p0 =	por p2, p2;
	_ =	swait.ge @!p2 [sflag:s17], $0x80  }
0x38: {  	[sflag:s17] =	ssyncset.done @!p0 $0x0  }
0x39: {  	s14 =	simm.s32 @!p0 $0x80;
	[sflag:s17] =	ssyncadd.s32 @!p0 $0xFFFFFF80  }
0x3a: {  	[tilespmem:s14], [sflag:$0x2] =	stream.linear.gather @!p0 [hbm4b:s13+s16], $0x80, $0x38;
	[tilespmem:$0x18100] =	vst v63  }
0x3b: {  	_ =	swait.ge @!p0 [sflag:s17], $0x80  }
0x3c: {  	[sflag:s17] =	ssyncset.done @!p0 $0x0  }
0x3d: {  	s13 =	simm.s32 @!p0 $0x100;
	[sflag:s17] =	ssyncadd.s32 @!p0 $0xFFFFFF80  }
0x3e: {  	[tilespmem:s13], [sflag:$0x2] =	stream.indirect.gather @!p0 [hbm4b:s4+s14], $0x80, s16, s14, $0xb8;
	[tilespmem:$0x18100] =	vst v63  }
0x3f: {  	_ =	swait.ge @!p0 [sflag:s17], $0x4000  }
0x40: {  	[sflag:s17] =	ssyncset.done @!p0 $0x0  }
0x41: {  	s15 =	simm.s32 @!p0 $0x1;
	[sflag:s17] =	ssyncadd.s32 @!p0 $0xFFFFC000  }
0x42: {  	[spmem:s2] =	stream.indirect.scatter.add.f32 @!p0 [tilespmem:s13], [sflag:$0x1], $0x80, s14, s14, $0xb8;
	[tilespmem:$0x18100] =	vst v63  }
0x43: {  	_ =	swait.ge @!p0 [sflag:s15], $0x4000  }
0x44: {  	s3 =	sadd.s32 $0x1, s3;
	[sflag:s15] =	ssyncset.done @!p0 $0x0  }
0x45: {  	[sflag:s15] =	ssyncadd.s32 @!p0 $0xFFFFC000;
	p0 =	sne.s32 s3, s9  }
.Ltmp1:
0x46: {  	[bflag:$0x0] =	sbarrier.arrive $0xFFFF;
	(pc) =	sbr.rel @p0 .LBB2_1-.Ltmp1, $4  }
0x47: {  	[hbm:s8], [sflag:s7] =	dma.local [spmem:s11], $0x2800  }
0x48: {  	_ =	swait.ge [sflag:s12], $0x2800  }
0x49: {  	[sflag:s12] =	ssyncset.done $0x0  }
0x4a: {  	[sflag:s12] =	ssyncadd.s32 $0xFFFFD800  }
0x4b: {  	_ =	sfence.sel $0x180000  }
0x4c: {  	[bflag:$0x0] =	sbarrier.arrive $0xFFFF  }
0x4d: {  	p0 =	sne.s32 s1, $0x0;
	_ =	strace $0x90000050  }
0x4e: {  	s0 =	sadd.s32 @!p0 $0x100000, s0;
	[bflag:$0x2] =	sbarrier.arrive $0xFFFF  }
0x4f: {  	[sflag:s0] =	ssyncadd.tile.s32 @!p0 $0x1;
	_ =	shalt  }
.Lfunc_end2:
_tile_overlayer_lowered:
.L_overlay_start_2:
0x50: {  	(tag) =	ssettag $0x2  }
0x51: {  	s0 =	rddreg [dreg:$0x0];
	s2 =	stileid.u32  }
0x52: {  	s1 =	rddreg [dreg:$0x1];
	p0 =	sne.s32 s2, $0x0  }
0x53: {  	s3 =	rddreg [dreg:$0x2];
	[bflag:$0x3] =	sbarrier.arrive $0xFFFF;
	s2 =	simm.s32 @!p0 $0x1C01  }
0x54: {  	[timem:s3], [sflag:s2] =	dma.local @!p0 [hbm:s0], s1  }
0x55: {  	s0 =	simm.s32 @!p0 $0x1  }
0x56: {  	_ =	swait.ge @!p0 [sflag:s0], s1  }
0x57: {  	s1 =	ssub.s32 @!p0 $0x0, s1;
	[sflag:s0] =	ssyncset.done @!p0 $0x0  }
0x58: {  	[sflag:s0] =	ssyncadd.s32 @!p0 s1  }
0x59: {  	[bflag:$0x3] =	sbarrier.arrive $0xFFFF  }
0x5a: {  	_ =	shalt  }

// kernel: kernel.23.cloned.1.call-start
scs
__scs_entry_jumppad:
0x0: {  	(pc) =	sbr.rel $0x88, $3  }
0x1: {  	(tag) =	ssettag $0x0;
	lr =	simm.s32 $0x1  }
0x2: {  	[smem:$0x3F94] =	sst lr;
	_ =	strace $0xD0000000  }
0x3: {  	_ = 	snop  }
0x4: {  	_ = 	snop  }
0x5: {  	_ = 	snop  }
0x6: {  	_ = 	snop  }
0x7: {  	_ = 	snop  }
__scs_overlays_trampoline_lowered:
0x8: {  	[smem:$0x3FA3] =	sst s0  }
0x9: {  	[smem:$0x3FA4] =	sst s1  }
0xa: {  	[smem:$0x3FA5] =	sst s2  }
0xb: {  	[smem:$0x3FA6] =	sst s3  }
0xc: {  	[smem:$0x3FA7] =	sst s4  }
0xd: {  	[smem:$0x3FA8] =	sst s5  }
0xe: {  	[smem:$0x3FA9] =	sst s6  }
0xf: {  	[smem:$0x3FAA] =	sst s7  }
0x10: {  	[smem:$0x3FAB] =	sst s8  }
0x11: {  	[smem:$0x3FAC] =	sst s9;
	s0 =	simm.s32 @!p0 $0x0  }
0x12: {  	s1 =	sld [smem:$0x3F92];
	s0 =	simm.s32 @p0 $0x1  }
0x13: {  	[smem:$0x3FAD] =	sst s0;
	s0 =	simm.s32 @!p1 $0x0  }
0x14: {  	s2 =	sld [smem:$0x3F91];
	s0 =	simm.s32 @p1 $0x1  }
0x15: {  	[smem:$0x3FAE] =	sst s0;
	s0 =	simm.s32 @!p2 $0x0  }
0x16: {  	s3 =	sld [smem:$0x3FDB];
	s0 =	simm.s32 @p2 $0x1  }
0x17: {  	s4 =	simm.s32 $0x1BF5;
	[smem:$0x3FB0] =	sst s0  }
0x18: {  	s0 =	sld [smem:$0x3F93];
	_ =	swait.ge [sflag:s4], $0x0  }
0x19: {  	s7 =	sld [smem:$0x3F94]  }
0x1a: {  	s8 =	sadd.s32 $0xFFFFE003, lr  }
0x1b: {  	s9 =	sadd.s32 $0xFFFFFEF7, lr;
	s5 =	simm.s32 $0xFFFFFFFF;
	p2 =	slt.u32 s8, $0xFFFFF086  }
0x1c: {  	p1 =	slt.u32 s9, $0xF7A;
	s5 =	simm.s32 @!p2 $0x0  }
0x1d: {  	s5 =	simm.s32 @p1 $0x1;
	p0 =	seq.s32 s7, s2  }
0x1e: {  	s7 =	smul.u32 @!p0 $0xF7A, s2;
	p2 =	seq.s32 @!p0 s5, $0x0  }
0x1f: {  	s9 =	smul.u32 $0xF7A, s1;
	s8 =	simm.s32 @!p0 $0x1BF5;
	p2 =	por !p2, p0  }
0x20: {  	[sflag:s8] =	ssyncset.s32 @!p0 $0xFFFFF086;
	s6 =	sadd.s32 @!p0 s3, s7;
	s7 =	simm.s32 @!p0 $0x108  }
0x21: {  	s3 =	sadd.s32 s3, s9;
	s6 =	sadd.s32 @!p0 $0x88, s6;
	s7 =	simm.s32 @p2 $0x1082  }
0x22: {  	[simem:s7], [sflag:s8] =	dma.local @!p0 [hbm:s6], $0xF7A  }
0x23: {  	s9 =	sor.u32 $0xD0000000, s2;
	s6 =	simm.s32 $0x108;
	_ =	swait.ge @!p0 [sflag:s8], $0x0  }
0x24: {  	s3 =	sadd.s32 $0x88, s3;
	s6 =	simm.s32 @!p1 $0x1082;
	[sflag:s4] =	ssyncset.s32 $0xFFFFF086  }
0x25: {  	[simem:s6], [sflag:s4] =	dma.local [hbm:s3], $0xF7A  }
0x26: {  	[smem:$0x3F94] =	sst s1;
	(tag) =	ssettag s2;
	_ =	strace s9  }
0x27: {  	s1 =	sld [smem:$0x3FA4]  }
0x28: {  	s2 =	sld [smem:$0x3FA5]  }
0x29: {  	s4 =	sld [smem:$0x3FA7]  }
0x2a: {  	p0 =	seq.s32 s5, $0x0;
	s5 =	sld [smem:$0x3FA8]  }
0x2b: {  	s6 =	sld [smem:$0x3FA9]  }
0x2c: {  	s7 =	sld [smem:$0x3FAA]  }
0x2d: {  	s3 =	simm.s32 $0x108;
	s8 =	sld [smem:$0x3FAB]  }
0x2e: {  	s3 =	simm.s32 @!p0 $0x1082;
	s9 =	sld [smem:$0x3FAC]  }
0x2f: {  	lr =	sadd.s32 s0, s3;
	s0 =	sld [smem:$0x3FA3]  }
0x30: {  	s3 =	sld [smem:$0x3FA6]  }
0x31: {  	[smem:$0x3FAF] =	sst s10  }
0x32: {  	s10 =	sld [smem:$0x3FAD];
	_ =	sdelay $0x3  }
0x33: {  	p0 =	seq.s32 s10, $0x1;
	s10 =	sld [smem:$0x3FAF];
	_ =	sdelay $0x3  }
0x34: {  	[smem:$0x3FAF] =	sst s10  }
0x35: {  	s10 =	sld [smem:$0x3FAE];
	_ =	sdelay $0x3  }
0x36: {  	p1 =	seq.s32 s10, $0x1;
	s10 =	sld [smem:$0x3FAF];
	_ =	sdelay $0x3  }
0x37: {  	[smem:$0x3FAF] =	sst s10  }
0x38: {  	s10 =	sld [smem:$0x3FB0]  }
0x39: {  	_ = 	snop;
	(pc) =	sbr.ind lr, $3  }
0x3a: {  	_ = 	snop  }
0x3b: {  	_ = 	snop  }
0x3c: {  	p2 =	seq.s32 s10, $0x1;
	s10 =	sld [smem:$0x3FAF]  }
0x3d: {  	_ =	shalt  }
0x3e: {  	_ =	shalt  }
0x3f: {  	_ =	shalt  }
0x40: {  	_ =	shalt  }
0x41: {  	_ =	shalt  }
0x42: {  	_ =	shalt  }
0x43: {  	_ =	shalt  }
0x44: {  	_ =	shalt  }
0x45: {  	_ =	shalt  }
0x46: {  	_ =	shalt  }
0x47: {  	_ =	shalt  }
0x48: {  	_ =	shalt  }
0x49: {  	_ =	shalt  }
0x4a: {  	_ =	shalt  }
0x4b: {  	_ =	shalt  }
0x4c: {  	_ =	shalt  }
0x4d: {  	_ =	shalt  }
0x4e: {  	_ =	shalt  }
0x4f: {  	_ =	shalt  }
0x50: {  	_ =	shalt  }
0x51: {  	_ =	shalt  }
0x52: {  	_ =	shalt  }
0x53: {  	_ =	shalt  }
0x54: {  	_ =	shalt  }
0x55: {  	_ =	shalt  }
0x56: {  	_ =	shalt  }
0x57: {  	_ =	shalt  }
0x58: {  	_ =	shalt  }
0x59: {  	_ =	shalt  }
0x5a: {  	_ =	shalt  }
0x5b: {  	_ =	shalt  }
0x5c: {  	_ =	shalt  }
0x5d: {  	_ =	shalt  }
0x5e: {  	_ =	shalt  }
0x5f: {  	_ =	shalt  }
0x60: {  	_ =	shalt  }
0x61: {  	_ =	shalt  }
0x62: {  	_ =	shalt  }
0x63: {  	_ =	shalt  }
0x64: {  	_ =	shalt  }
0x65: {  	_ =	shalt  }
0x66: {  	_ =	shalt  }
0x67: {  	_ =	shalt  }
0x68: {  	_ =	shalt  }
0x69: {  	_ =	shalt  }
0x6a: {  	_ =	shalt  }
0x6b: {  	_ =	shalt  }
0x6c: {  	_ =	shalt  }
0x6d: {  	_ =	shalt  }
0x6e: {  	_ =	shalt  }
0x6f: {  	_ =	shalt  }
0x70: {  	_ =	shalt  }
0x71: {  	_ =	shalt  }
0x72: {  	_ =	shalt  }
0x73: {  	_ =	shalt  }
0x74: {  	_ =	shalt  }
0x75: {  	_ =	shalt  }
0x76: {  	_ =	shalt  }
0x77: {  	_ =	shalt  }
0x78: {  	_ =	shalt  }
0x79: {  	_ =	shalt  }
0x7a: {  	_ =	shalt  }
0x7b: {  	_ =	shalt  }
0x7c: {  	_ =	shalt  }
0x7d: {  	_ =	shalt  }
0x7e: {  	_ =	shalt  }
0x7f: {  	_ =	shalt  }
0x80: {  	_ =	shalt  }
0x81: {  	_ =	shalt  }
0x82: {  	_ =	shalt  }
0x83: {  	_ =	shalt  }
0x84: {  	_ =	shalt  }
0x85: {  	_ =	shalt  }
0x86: {  	_ =	shalt  }
0x87: {  	_ =	shalt  }
.Lfunc_end0:
.L_simem_size_0:
called_computation.4_lowered:
.L_overlay_start_0:
0x88: {  	s2 =	sld [smem:$0x3FD9]  }
0x89: {  	s3 =	sld [smem:$0x3FFE];
	_ =	sdelay $0x1  }
0x8a: {  	s1 =	srdreg.scid  }
0x8b: {  	s0 =	sand.u32 $0x1, s1  }
0x8c: {  	s17 =	sshll.u32 s0, $0xA;
	s2 =	sadd.s32 s3, s2  }
0x8d: {  	s2 =	sadd.s32 s2, s17  }
0x8e: {  	[smem:$0x3FBB] =	sst s2  }
0x8f: {  	_ = 	snop  }
0x90: {  	s2 =	sld [smem:$0x3FC8]  }
0x91: {  	s18 =	sld [smem:$0x3FD0];
	(tm) =	ssettm $0x1  }
0x92: {  	s4 =	sld [smem:$0x3FFB];
	_ =	sdelay $0x3  }
0x93: {  	_ =	strace s4  }
0x94: {  	s4 =	sld [smem:$0x3FFC];
	_ =	sdelay $0x3  }
0x95: {  	_ =	strace s4  }
0x96: {  	s4 =	sld [smem:$0x3FFD];
	_ =	sdelay $0x3  }
0x97: {  	_ =	strace s4  }
0x98: {  	_ =	strace $0x8FFFFFFF  }
0x99: {  	s19 =	sld [smem:$0x3FDB];
	_ =	sdelay $0x1  }
0x9a: {  	s5 =	simm.s32 $_scs_section_size  }
0x9b: {  	s6 =	simm.s32 $_size__tile_overlayer_lowered;
	s7 =	simm.s32 $_tile_overlayer_lowered  }
0x9c: {  	s22 =	simm.s32 $0x1BFF;
	s21 =	sshll.u32 s7, $0x1;
	s4 =	sadd.s32 s5, s19  }
0x9d: {  	s8 =	simm.s32 $0x0;
	s20 =	sshll.u32 s6, $0x1;
	s6 =	sadd.s32 s21, s4  }
0x9e: {  	[timem:s8], [sflag:s22] =	dma.local [hbm:s6], s20  }
0x9f: {  	_ =	swait.ge [sflag:s22], s20  }
0xa0: {  	s5 =	ssub.s32 $0x0, s20;
	[sflag:s22] =	ssyncset.done $0x0  }
0xa1: {  	[sflag:s22] =	ssyncadd.s32 s5;
	_ =	sdelay $0x1  }
0xa2: {  	s23 =	simm.s32 $0x1B8B  }
0xa3: {  	_ =	swait.ge [sflag:s23], $0x1  }
0xa4: {  	[sflag:s23] =	ssyncset.done $0x0  }
0xa5: {  	s25 =	simm.s32 $0x1B8E;
	s24 =	sld [smem:$0x3FFE];
	[sflag:s23] =	ssyncadd.s32 $0xFFFFFFFF  }
0xa6: {  	s26 =	simm.s32 $execute0_lowered;
	[smem:$0x3FD2] =	sst s25  }
0xa7: {  	s6 =	sshll.u32 s26, $0x1;
	_ =	strace $0x80000052;
	[dreg:$0x1] =	wrdreg $0xFFFFFFFF  }
0xa8: {  	s28 =	simm.s32 $_size_execute0_lowered;
	s4 =	sadd.s32 s4, s6;
	[dreg:$0x0] =	wrdreg $0x0  }
0xa9: {  	s6 =	sshll.u32 s28, $0x1;
	[dreg:$0x2] =	wrdreg s4  }
0xaa: {  	[dreg:$0x3] =	wrdreg s6  }
0xab: {  	[dreg:$0x4] =	wrdreg $0xC0  }
0xac: {  	_ =	task [dreg:s8], $0x5FFFF  }
0xad: {  	[dreg:$0x1] =	wrdreg $0xFFFFFFFF  }
0xae: {  	[dreg:$0x0] =	wrdreg $0x60  }
0xaf: {  	[dreg:$0x2] =	wrdreg s2  }
0xb0: {  	[dreg:$0x3] =	wrdreg s18  }
0xb1: {  	[dreg:$0x4] =	wrdreg s24  }
0xb2: {  	[dreg:$0x5] =	wrdreg $0x41000  }
0xb3: {  	[dreg:$0x6] =	wrdreg $0x9  }
0xb4: {  	_ =	task.clear_ibuf [dreg:s8], $0x7FFFF;
	_ =	strace $0x90000052  }
0xb5: {  	s29 =	simm.s32 $0x9;
	_ =	strace $0x80000054  }
0xb6: {  	_ =	swait.ge [sflag:s29], $0x1  }
0xb7: {  	[sflag:s29] =	ssyncadd.s32 $0xFFFFFFFF  }
0xb8: {  	_ =	strace $0x90000054  }
0xb9: {  	_ =	sfence  }
0xba: {  	s30 =	sld [smem:$0x0];
	_ =	sdelay $0x2  }
0xbb: {  	s31 =	sshll.u32 s1, $0xD;
	s1 =	sshrl.u32 s1, $0x2  }
0xbc: {  	s3 =	sand.u32 $0x4000, s31;
	s1 =	sadd.s32 s1, s30  }
0xbd: {  	s0 =	sor.u32 s3, s0;
	s1 =	sshll.u32 s1, $0x11  }
0xbe: {  	s0 =	sor.u32 s1, s0  }
0xbf: {  	s0 =	sadd.s32 $0x8F2B, s0  }
0xc0: {  	[sflag:s0] =	ssyncadd.remote.s32 $0x1  }
0xc1: {  	_ =	sfence.sel $0xFFFF  }
0xc2: {  	[dreg:$0x0] =	wrdreg $0xFFFFFFFF;
	(pc) =	sbr.abs _section_cstart, $3  }
0xc3: {  	[dreg:$0x1] =	wrdreg $0xFFFFFFFF  }
0xc4: {  	_ =	task.clear_ibuf [dreg:s8], $0x2FFFF;
	_ =	strace $0x9FFFFFFF  }
0xc5: {  	(tm) =	ssettm $0x7FFFFFFF  }
tec
execute0_lowered:
.L_overlay_start_1:
0x0: {  	(tag) =	ssettag $0x1  }
0x1: {  	s8 =	rddreg [dreg:$0x0]  }
0x2: {  	s1 =	rddreg [dreg:$0x1]  }
0x3: {  	s5 =	rddreg [dreg:$0x2];
	s0 =	stileid.u32  }
0x4: {  	s2 =	srdreg.scid;
	s3 =	rddreg [dreg:$0x3];
	s4 =	simm.s32 $0x0  }
0x5: {  	s6 =	smul.u32 $0x14000, s0;
	s9 =	sand.u32 $0x1, s2;
	s2 =	rddreg [dreg:$0x4]  }
0x6: {  	[smem:$0x7FF] =	sst s4;
	s11 =	smul.u32 $0x50000, s0  }
0x7: {  	s31 =	sshll.u32 s0, $0x6;
	s7 =	smul.u32 $0x140000, s9;
	_ =	strace $0x80000053  }
0x8: {  	s28 =	ssub.s32 $0x2, s9;
	s14 =	sshll.u32 s9, $0x5;
	s10 =	sshrl.u32 s6, $0x3  }
0x9: {  	s29 =	sshrl.u32 s28, $0x1;
	s30 =	sshrl.u32 s11, $0x2;
	s6 =	sadd.s32 s6, s7  }
0xa: {  	s10 =	sadd.s32 s10, s5;
	s13 =	ssub.s32 s28, s29;
	s11 =	sadd.s32 s30, s3  }
0xb: {  	s7 =	sor.u32 $0x1C01, s31;
	s6 =	sshrl.u32 s6, $0x3;
	s9 =	smax.u32 s13, $0x1  }
0xc: {  	s12 =	sadd.s32 s6, s5;
	s6 =	sadd.s32 $0x4600, s10;
	s10 =	sadd.s32 s31, s8  }
0xd: {  	s11 =	sshrl.u32 s11, $0x3;
	s5 =	sshll.u32 s0, $0x1;
	s10 =	sadd.s32 s14, s10  }
0xe: {  	s8 =	sadd.s32 $0x2C600, s12;
	s12 =	simm.s32 $0x1;
	s10 =	sadd.s32 $0x10, s10  }
.LBB2_1:
0xf: {  	[spmem:s11], [sflag:s7] =	dma.local [hbm:s6], $0x2800  }
0x10: {  	s13 =	sadd.s32 $0x0, s5;
	_ =	swait.ge [sflag:s12], $0x2800  }
0x11: {  	p0 =	sgt.u32 s13, $0x9C3;
	[sflag:s12] =	ssyncset.done $0x0  }
0x12: {  	s13 =	sadd.s32 @!p0 $0xFFFFFFF0, s10;
	[sflag:s12] =	ssyncadd.s32 $0xFFFFD800  }
0x13: {  	s14 =	simm.s32 @!p0 $0x0;
	s15 =	simm.s32 @!p0 $0x2;
	[bflag:$0x0] =	sbarrier.arrive $0xFFFF  }
0x14: {  	[tilespmem:s14], [sflag:$0x2] =	stream.linear.gather @!p0 [hbm4b:s13+s14], $0x80, $0x38;
	[tilespmem:$0x18100] =	vst v63  }
0x15: {  	_ =	swait.ge @!p0 [sflag:s15], $0x80;
	p0 =	por p0, p0  }
0x16: {  	[sflag:s15] =	ssyncset.done @!p0 $0x0  }
0x17: {  	s13 =	simm.s32 @!p0 $0x80;
	[sflag:s15] =	ssyncadd.s32 @!p0 $0xFFFFFF80  }
0x18: {  	[tilespmem:s13], [sflag:$0x2] =	stream.linear.gather @!p0 [hbm4b:s10+s14], $0x80, $0x38;
	[tilespmem:$0x18100] =	vst v63  }
0x19: {  	_ =	swait.ge @!p0 [sflag:s15], $0x80  }
0x1a: {  	[sflag:s15] =	ssyncset.done @!p0 $0x0  }
0x1b: {  	s16 =	simm.s32 @!p0 $0x100;
	[sflag:s15] =	ssyncadd.s32 @!p0 $0xFFFFFF80  }
0x1c: {  	[tilespmem:s16], [sflag:$0x2] =	stream.indirect.gather @!p0 [hbm4b:s1+s13], $0x80, s14, s13, $0xb8;
	[tilespmem:$0x18100] =	vst v63  }
0x1d: {  	_ =	swait.ge @!p0 [sflag:s15], $0x4000  }
0x1e: {  	s31 =	sadd.s32 $0x20, s5;
	[sflag:s15] =	ssyncset.done @!p0 $0x0  }
0x1f: {  	p2 =	sgt.u32 s31, $0x9C3;
	[sflag:s15] =	ssyncadd.s32 @!p0 $0xFFFFC000;
	s15 =	simm.s32 @!p0 $0x1  }
0x20: {  	[spmem:s3] =	stream.indirect.scatter.add.f32 @!p0 [tilespmem:s16], [sflag:$0x1], $0x80, s13, s13, $0xb8;
	[tilespmem:$0x18100] =	vst v63  }
0x21: {  	s14 =	simm.s32 $0x40;
	s13 =	sadd.s32 $0x400, s10;
	_ =	swait.ge @!p0 [sflag:s15], $0x4000  }
.LBB2_2:
0x22: {  	s16 =	sadd.s32 @!p2 $0xFFFFFFF0, s13  }
0x23: {  	s17 =	simm.s32 @!p2 $0x0;
	[sflag:s15] =	ssyncset.done @!p0 $0x0;
	s18 =	smov.u32 s14  }
0x24: {  	s14 =	sadd.s32 $0x20, s14;
	s19 =	simm.s32 @!p2 $0x2;
	[sflag:s15] =	ssyncadd.s32 @!p0 $0xFFFFC000  }
0x25: {  	[tilespmem:s17], [sflag:$0x2] =	stream.linear.gather @!p2 [hbm4b:s16+s17], $0x80, $0x38;
	[tilespmem:$0x18100] =	vst v63  }
0x26: {  	p1 =	sne.s32 s14, $0x9E0;
	p0 =	por p2, p2;
	_ =	swait.ge @!p2 [sflag:s19], $0x80  }
0x27: {  	[sflag:s19] =	ssyncset.done @!p0 $0x0  }
0x28: {  	s16 =	simm.s32 @!p0 $0x80;
	[sflag:s19] =	ssyncadd.s32 @!p0 $0xFFFFFF80  }
0x29: {  	[tilespmem:s16], [sflag:$0x2] =	stream.linear.gather @!p0 [hbm4b:s13+s17], $0x80, $0x38;
	[tilespmem:$0x18100] =	vst v63  }
0x2a: {  	_ =	swait.ge @!p0 [sflag:s19], $0x80  }
0x2b: {  	[sflag:s19] =	ssyncset.done @!p0 $0x0  }
0x2c: {  	s20 =	simm.s32 @!p0 $0x100;
	[sflag:s19] =	ssyncadd.s32 @!p0 $0xFFFFFF80  }
0x2d: {  	[tilespmem:s20], [sflag:$0x2] =	stream.indirect.gather @!p0 [hbm4b:s1+s16], $0x80, s17, s16, $0xb8;
	[tilespmem:$0x18100] =	vst v63  }
.Ltmp0:
0x2e: {  	_ =	swait.ge @!p0 [sflag:s19], $0x4000;
	(pc) =	sbr.rel @p1 .LBB2_2-.Ltmp0, $4  }
0x2f: {  	[sflag:s19] =	ssyncset.done @!p0 $0x0  }
0x30: {  	s15 =	simm.s32 @!p0 $0x1;
	s17 =	sadd.s32 s18, s5;
	[sflag:s19] =	ssyncadd.s32 @!p0 $0xFFFFC000  }
0x31: {  	[spmem:s3] =	stream.indirect.scatter.add.f32 @!p0 [tilespmem:s20], [sflag:$0x1], $0x80, s16, s16, $0xb8;
	[tilespmem:$0x18100] =	vst v63  }
0x32: {  	s13 =	sadd.s32 $0x400, s13;
	p2 =	sgt.u32 s17, $0x9C3;
	_ =	swait.ge @!p0 [sflag:s15], $0x4000  }
0x33: {  	s14 =	sadd.s32 @!p2 $0xFFFFFFF0, s13;
	[sflag:s15] =	ssyncset.done @!p0 $0x0  }
0x34: {  	s16 =	simm.s32 @!p2 $0x0;
	s17 =	simm.s32 @!p2 $0x2;
	[sflag:s15] =	ssyncadd.s32 @!p0 $0xFFFFC000  }
0x35: {  	[tilespmem:s16], [sflag:$0x2] =	stream.linear.gather @!p2 [hbm4b:s14+s16], $0x80, $0x38;
	[tilespmem:$0x18100] =	vst v63  }
0x36: {  	p0 =	por p2, p2;
	_ =	swait.ge @!p2 [sflag:s17], $0x80  }
0x37: {  	[sflag:s17] =	ssyncset.done @!p0 $0x0  }
0x38: {  	s14 =	simm.s32 @!p0 $0x80;
	[sflag:s17] =	ssyncadd.s32 @!p0 $0xFFFFFF80  }
0x39: {  	[tilespmem:s14], [sflag:$0x2] =	stream.linear.gather @!p0 [hbm4b:s13+s16], $0x80, $0x38;
	[tilespmem:$0x18100] =	vst v63  }
0x3a: {  	_ =	swait.ge @!p0 [sflag:s17], $0x80  }
0x3b: {  	[sflag:s17] =	ssyncset.done @!p0 $0x0  }
0x3c: {  	s13 =	simm.s32 @!p0 $0x100;
	[sflag:s17] =	ssyncadd.s32 @!p0 $0xFFFFFF80  }
0x3d: {  	[tilespmem:s13], [sflag:$0x2] =	stream.indirect.gather @!p0 [hbm4b:s1+s14], $0x80, s16, s14, $0xb8;
	[tilespmem:$0x18100] =	vst v63  }
0x3e: {  	_ =	swait.ge @!p0 [sflag:s17], $0x4000  }
0x3f: {  	[sflag:s17] =	ssyncset.done @!p0 $0x0  }
0x40: {  	s15 =	simm.s32 @!p0 $0x1;
	[sflag:s17] =	ssyncadd.s32 @!p0 $0xFFFFC000  }
0x41: {  	[spmem:s3] =	stream.indirect.scatter.add.f32 @!p0 [tilespmem:s13], [sflag:$0x1], $0x80, s14, s14, $0xb8;
	[tilespmem:$0x18100] =	vst v63  }
0x42: {  	_ =	swait.ge @!p0 [sflag:s15], $0x4000  }
0x43: {  	s4 =	sadd.s32 $0x1, s4;
	[sflag:s15] =	ssyncset.done @!p0 $0x0  }
0x44: {  	[sflag:s15] =	ssyncadd.s32 @!p0 $0xFFFFC000;
	p0 =	sne.s32 s4, s9  }
.Ltmp1:
0x45: {  	[bflag:$0x0] =	sbarrier.arrive $0xFFFF;
	(pc) =	sbr.rel @p0 .LBB2_1-.Ltmp1, $4  }
0x46: {  	[hbm:s8], [sflag:s7] =	dma.local [spmem:s11], $0x2800  }
0x47: {  	_ =	swait.ge [sflag:s12], $0x2800  }
0x48: {  	[sflag:s12] =	ssyncset.done $0x0  }
0x49: {  	[sflag:s12] =	ssyncadd.s32 $0xFFFFD800  }
0x4a: {  	_ =	sfence.sel $0x180000  }
0x4b: {  	[bflag:$0x0] =	sbarrier.arrive $0xFFFF  }
0x4c: {  	p0 =	sne.s32 s0, $0x0;
	_ =	strace $0x90000053  }
0x4d: {  	s0 =	sadd.s32 @!p0 $0x100000, s2;
	[bflag:$0x2] =	sbarrier.arrive $0xFFFF  }
0x4e: {  	[sflag:s0] =	ssyncadd.tile.s32 @!p0 $0x1;
	_ =	shalt  }
.Lfunc_end2:
_tile_overlayer_lowered:
.L_overlay_start_2:
0x4f: {  	(tag) =	ssettag $0x2  }
0x50: {  	s0 =	rddreg [dreg:$0x0];
	s2 =	stileid.u32  }
0x51: {  	s1 =	rddreg [dreg:$0x1];
	p0 =	sne.s32 s2, $0x0  }
0x52: {  	s3 =	rddreg [dreg:$0x2];
	[bflag:$0x3] =	sbarrier.arrive $0xFFFF;
	s2 =	simm.s32 @!p0 $0x1C01  }
0x53: {  	[timem:s3], [sflag:s2] =	dma.local @!p0 [hbm:s0], s1  }
0x54: {  	s0 =	simm.s32 @!p0 $0x1  }
0x55: {  	_ =	swait.ge @!p0 [sflag:s0], s1  }
0x56: {  	s1 =	ssub.s32 @!p0 $0x0, s1;
	[sflag:s0] =	ssyncset.done @!p0 $0x0  }
0x57: {  	[sflag:s0] =	ssyncadd.s32 @!p0 s1  }
0x58: {  	[bflag:$0x3] =	sbarrier.arrive $0xFFFF  }
0x59: {  	_ =	shalt  }

</sc_bundles>
